<compile_context>
chip_gen: v7x
topology: tpu7x:2x2x1
jax: 0.10.2.dev20260603
libtpu: 0.0.44.dev20260713+nightly
codegen_flags: <defaults>
</compile_context>

<pallas_src>
import jax
import jax.numpy as jnp
from jax import lax
from jax.experimental import pallas as pl
from jax.experimental.pallas import tpu as pltpu

_B, _N = 4, 20000
_PRE_NMS = 1000
_POST_NMS = 1000
_NMS_THRESH = 0.7
_SCORE_THRESH = 0.0
_MIN_SIZE = 0.001
_IMG_H = 800.0
_IMG_W = 800.0
_K = 1024


def _nms_kernel(boxes_ref, boxest_ref, valid_ref, keep_ref, iou_ref):
    boxes = boxes_ref[0]
    bt = boxest_ref[0]
    x1 = boxes[:, 0:1]
    y1 = boxes[:, 1:2]
    x2 = boxes[:, 2:3]
    y2 = boxes[:, 3:4]
    x1c = bt[0:1, :]
    y1c = bt[1:2, :]
    x2c = bt[2:3, :]
    y2c = bt[3:4, :]
    area_r = (x2 - x1) * (y2 - y1)
    area_c = (x2c - x1c) * (y2c - y1c)
    ix1 = jnp.maximum(x1, x1c)
    iy1 = jnp.maximum(y1, y1c)
    ix2 = jnp.minimum(x2, x2c)
    iy2 = jnp.minimum(y2, y2c)
    iw = jnp.maximum(ix2 - ix1, 0.0)
    ih = jnp.maximum(iy2 - iy1, 0.0)
    inter = iw * ih
    union = area_r + area_c - inter
    iou_ref[...] = inter / jnp.maximum(union, 1e-9)

    col = lax.broadcasted_iota(jnp.int32, (1, _K), 1)
    keep_ref[0] = valid_ref[0]

    def body(i, carry):
        row = iou_ref[pl.ds(i, 1), :]
        keep = keep_ref[0]
        ki = jnp.sum(keep * (col == i).astype(jnp.float32))
        sup = (row > _NMS_THRESH) & (col > i) & (ki > 0.5)
        keep_ref[0] = keep * (1.0 - sup.astype(jnp.float32))
        return carry

    lax.fori_loop(0, _PRE_NMS, body, 0)


def kernel(proposals, objectness):
    top_scores, idx = lax.top_k(objectness, _PRE_NMS)
    boxes = jnp.take_along_axis(proposals, idx[..., None], axis=1)
    prob = jax.nn.sigmoid(top_scores)
    boxes = jnp.stack([
        jnp.clip(boxes[..., 0], 0.0, _IMG_W),
        jnp.clip(boxes[..., 1], 0.0, _IMG_H),
        jnp.clip(boxes[..., 2], 0.0, _IMG_W),
        jnp.clip(boxes[..., 3], 0.0, _IMG_H)], axis=-1)
    ws = boxes[..., 2] - boxes[..., 0]
    hs = boxes[..., 3] - boxes[..., 1]
    valid = (ws >= _MIN_SIZE) & (hs >= _MIN_SIZE) & (prob >= _SCORE_THRESH)
    prob = jnp.where(valid, prob, 0.0)
    order = jnp.argsort(-prob, axis=1)
    boxes_s = jnp.take_along_axis(boxes, order[..., None], axis=1)
    prob_s = jnp.take_along_axis(prob, order, axis=1)
    valid_s = jnp.take_along_axis(valid, order, axis=1)

    pad = _K - _PRE_NMS
    boxes_p = jnp.pad(boxes_s, ((0, 0), (0, pad), (0, 0)))
    valid_p = jnp.pad(valid_s.astype(jnp.float32), ((0, 0), (0, pad)))[:, None, :]
    boxes_t = boxes_p.transpose(0, 2, 1)

    keep_p = pl.pallas_call(
        _nms_kernel,
        grid=(_B,),
        in_specs=[
            pl.BlockSpec((1, _K, 4), lambda b: (b, 0, 0)),
            pl.BlockSpec((1, 4, _K), lambda b: (b, 0, 0)),
            pl.BlockSpec((1, 1, _K), lambda b: (b, 0, 0)),
        ],
        out_specs=pl.BlockSpec((1, 1, _K), lambda b: (b, 0, 0)),
        out_shape=jax.ShapeDtypeStruct((_B, 1, _K), jnp.float32),
        scratch_shapes=[pltpu.VMEM((_K, _K), jnp.float32)],
    )(boxes_p, boxes_t, valid_p)

    keep = keep_p[:, 0, :_PRE_NMS] > 0.5
    rank_key = jnp.where(keep, prob_s, -1.0)
    ord2 = jnp.argsort(-rank_key, axis=1)
    kept2 = jnp.take_along_axis(keep, ord2, axis=1)[:, :_POST_NMS]
    out_boxes = (jnp.take_along_axis(boxes_s, ord2[..., None], axis=1)[:, :_POST_NMS]
                 * kept2[..., None].astype(boxes.dtype))
    out_scores = (jnp.take_along_axis(prob_s, ord2, axis=1)[:, :_POST_NMS]
                  * kept2.astype(prob.dtype))
    return out_boxes, out_scores

# --- scband reference (transcript-rebuilt; emitter-appended) ---
"""Pipeline reference for scband-region-proposal-network-64939905516020 (READ-ONLY COPY).

The authoritative reference and input builder live on the scoring server;
editing this copy changes nothing except your own understanding.
"""

import jax, jax.numpy as jnp
import numpy as np
from jax import lax

B, N = 4, 20000
PRE_NMS = 1000
POST_NMS = 1000
NMS_THRESH = 0.7
SCORE_THRESH = 0.0
MIN_SIZE = 0.001
IMG_H = 800.0
IMG_W = 800.0


def setup_inputs(seed: int = 0):
    key = jax.random.key(seed)
    k1, k2, k3 = jax.random.split(key, 3)
    xy = jax.random.uniform(k1, (B, N, 2), minval=0.0, maxval=IMG_W - 40.0)
    wh = jax.random.uniform(k2, (B, N, 2), minval=1.0, maxval=120.0)
    proposals = jnp.concatenate([xy, xy + wh], axis=-1).astype(jnp.float32)
    objectness = jax.random.normal(k3, (B, N), dtype=jnp.float32)
    return {"proposals": proposals, "objectness": objectness}


def _box_iou(boxes):
    x1, y1, x2, y2 = boxes[:, 0], boxes[:, 1], boxes[:, 2], boxes[:, 3]
    area = (x2 - x1) * (y2 - y1)
    ix1 = jnp.maximum(x1[:, None], x1[None, :])
    iy1 = jnp.maximum(y1[:, None], y1[None, :])
    ix2 = jnp.minimum(x2[:, None], x2[None, :])
    iy2 = jnp.minimum(y2[:, None], y2[None, :])
    iw = jnp.clip(ix2 - ix1, 0.0)
    ih = jnp.clip(iy2 - iy1, 0.0)
    inter = iw * ih
    union = area[:, None] + area[None, :] - inter
    return inter / jnp.maximum(union, 1e-9)


def _nms_keep(boxes_sorted, valid_sorted):
    # greedy NMS over score-desc-sorted boxes, fixed-size boolean keep mask
    n = boxes_sorted.shape[0]
    iou = _box_iou(boxes_sorted)
    ar = jnp.arange(n)
    def body(i, keep):
        suppress = (iou[i] > NMS_THRESH) & (ar > i) & keep[i]
        return keep & (~suppress)
    return lax.fori_loop(0, n, body, valid_sorted)


def _per_image(boxes, scores):
    # pre-NMS top-k on objectness (gather-heavy, memory-bound over 20k anchors)
    top_scores, idx = lax.top_k(scores, PRE_NMS)
    boxes = boxes[idx]
    prob = jax.nn.sigmoid(top_scores)
    # clip boxes to image
    boxes = jnp.stack([
        jnp.clip(boxes[:, 0], 0.0, IMG_W),
        jnp.clip(boxes[:, 1], 0.0, IMG_H),
        jnp.clip(boxes[:, 2], 0.0, IMG_W),
        jnp.clip(boxes[:, 3], 0.0, IMG_H)], axis=-1)
    # remove small boxes + score threshold (mask instead of dynamic filter)
    ws = boxes[:, 2] - boxes[:, 0]
    hs = boxes[:, 3] - boxes[:, 1]
    valid = (ws >= MIN_SIZE) & (hs >= MIN_SIZE) & (prob >= SCORE_THRESH)
    prob = jnp.where(valid, prob, 0.0)
    order = jnp.argsort(-prob)
    boxes_s = boxes[order]
    prob_s = prob[order]
    valid_s = valid[order]
    keep = _nms_keep(lax.stop_gradient(boxes_s), valid_s)
    # compact kept entries to the front (stable sort), pad with zeros
    rank_key = jnp.where(keep, lax.stop_gradient(prob_s), -1.0)
    ord2 = jnp.argsort(-rank_key)
    kept2 = keep[ord2][:POST_NMS]
    out_boxes = boxes_s[ord2][:POST_NMS] * kept2[:, None].astype(boxes.dtype)
    out_scores = prob_s[ord2][:POST_NMS] * kept2.astype(prob.dtype)
    return out_boxes, out_scores


def reference(proposals, objectness):
    # RPN filter_proposals: per-image topk -> sigmoid -> clip -> small-box filter -> NMS -> post_nms_top_n
    final_boxes, final_scores = jax.vmap(_per_image)(proposals, objectness)
    return final_boxes, final_scores

if __name__ == "__main__":
    import jax
    _d = setup_inputs()
    print(jax.jit(kernel)(*tuple(_d.values())))

</pallas_src>

<mosaic_0001>
module attributes {stable_mosaic.version = 14 : i64} {
  func.func @_nms_kernel(%arg0: i32, %arg1: memref<1x1024x4xf32, #tpu.memory_space<vmem>>, %arg2: memref<1x4x1024xf32, #tpu.memory_space<vmem>>, %arg3: memref<1x1x1024xf32, #tpu.memory_space<vmem>>, %arg4: memref<1x1x1024xf32, #tpu.memory_space<vmem>>, %arg5: memref<1024x1024xf32, #tpu.memory_space<vmem>>) attributes {dimension_semantics = [#tpu.dimension_semantics<arbitrary>], iteration_bounds = array<i64: 4>, scalar_prefetch = 0 : i64, scratch_operands = 1 : i64, tpu.core_type = #tpu.core_type<tc>, window_params = [{transform_indices = @transform_0, window_bounds = array<i64: 1, 1024, 4>}, {transform_indices = @transform_1, window_bounds = array<i64: 1, 4, 1024>}, {transform_indices = @transform_2, window_bounds = array<i64: 1, 1, 1024>}, {transform_indices = @transform_3, window_bounds = array<i64: 1, 1, 1024>}]} {
    %get3A = arith.constant 0 : index
    %get3A_0 = arith.constant 0 : index
    %get3A_1 = arith.constant 0 : index
    %get3A_2 = vector.load %arg1[%get3A, %get3A_0, %get3A_1] : memref<1x1024x4xf32, #tpu.memory_space<vmem>>, vector<1x1024x4xf32>
    %get3A_3 = vector.shape_cast %get3A_2 : vector<1x1024x4xf32> to vector<1024x4xf32>
    %get3A_4 = arith.constant 0 : index
    %get3A_5 = arith.constant 0 : index
    %get3A_6 = arith.constant 0 : index
    %get3A_7 = vector.load %arg2[%get3A_4, %get3A_5, %get3A_6] : memref<1x4x1024xf32, #tpu.memory_space<vmem>>, vector<1x4x1024xf32>
    %get3A_8 = vector.shape_cast %get3A_7 : vector<1x4x1024xf32> to vector<4x1024xf32>
    %slice3A = vector.extract_strided_slice %get3A_3 {offsets = [0, 0], sizes = [1024, 1], strides = [1, 1]} : vector<1024x4xf32> to vector<1024x1xf32>
    %slice3A_9 = vector.extract_strided_slice %get3A_3 {offsets = [0, 1], sizes = [1024, 1], strides = [1, 1]} : vector<1024x4xf32> to vector<1024x1xf32>
    %slice3A_10 = vector.extract_strided_slice %get3A_3 {offsets = [0, 2], sizes = [1024, 1], strides = [1, 1]} : vector<1024x4xf32> to vector<1024x1xf32>
    %slice3A_11 = vector.extract_strided_slice %get3A_3 {offsets = [0, 3], sizes = [1024, 1], strides = [1, 1]} : vector<1024x4xf32> to vector<1024x1xf32>
    %slice3A_12 = vector.extract_strided_slice %get3A_8 {offsets = [0, 0], sizes = [1, 1024], strides = [1, 1]} : vector<4x1024xf32> to vector<1x1024xf32>
    %slice3A_13 = vector.extract_strided_slice %get3A_8 {offsets = [1, 0], sizes = [1, 1024], strides = [1, 1]} : vector<4x1024xf32> to vector<1x1024xf32>
    %slice3A_14 = vector.extract_strided_slice %get3A_8 {offsets = [2, 0], sizes = [1, 1024], strides = [1, 1]} : vector<4x1024xf32> to vector<1x1024xf32>
    %slice3A_15 = vector.extract_strided_slice %get3A_8 {offsets = [3, 0], sizes = [1, 1024], strides = [1, 1]} : vector<4x1024xf32> to vector<1x1024xf32>
    %sub3A = arith.subf %slice3A_10, %slice3A : vector<1024x1xf32>
    %sub3A_16 = arith.subf %slice3A_11, %slice3A_9 : vector<1024x1xf32>
    %mul3A = arith.mulf %sub3A, %sub3A_16 : vector<1024x1xf32>
    %sub3A_17 = arith.subf %slice3A_14, %slice3A_12 : vector<1x1024xf32>
    %sub3A_18 = arith.subf %slice3A_15, %slice3A_13 : vector<1x1024xf32>
    %mul3A_19 = arith.mulf %sub3A_17, %sub3A_18 : vector<1x1024xf32>
    %max3A = vector.broadcast %slice3A : vector<1024x1xf32> to vector<1024x1024xf32>
    %max3A_20 = vector.broadcast %slice3A_12 : vector<1x1024xf32> to vector<1024x1024xf32>
    %max3A_21 = arith.maximumf %max3A, %max3A_20 : vector<1024x1024xf32>
    %max3A_22 = vector.broadcast %slice3A_9 : vector<1024x1xf32> to vector<1024x1024xf32>
    %max3A_23 = vector.broadcast %slice3A_13 : vector<1x1024xf32> to vector<1024x1024xf32>
    %max3A_24 = arith.maximumf %max3A_22, %max3A_23 : vector<1024x1024xf32>
    %min3A = vector.broadcast %slice3A_10 : vector<1024x1xf32> to vector<1024x1024xf32>
    %min3A_25 = vector.broadcast %slice3A_14 : vector<1x1024xf32> to vector<1024x1024xf32>
    %min3A_26 = arith.minimumf %min3A, %min3A_25 : vector<1024x1024xf32>
    %min3A_27 = vector.broadcast %slice3A_11 : vector<1024x1xf32> to vector<1024x1024xf32>
    %min3A_28 = vector.broadcast %slice3A_15 : vector<1x1024xf32> to vector<1024x1024xf32>
    %min3A_29 = arith.minimumf %min3A_27, %min3A_28 : vector<1024x1024xf32>
    %sub3A_30 = arith.subf %min3A_26, %max3A_21 : vector<1024x1024xf32>
    %max3A_31 = arith.constant 0.000000e+00 : f32
    %max3A_32 = vector.broadcast %max3A_31 : f32 to vector<1024x1024xf32>
    %max3A_33 = arith.maximumf %sub3A_30, %max3A_32 : vector<1024x1024xf32>
    %sub3A_34 = arith.subf %min3A_29, %max3A_24 : vector<1024x1024xf32>
    %max3A_35 = arith.constant 0.000000e+00 : f32
    %max3A_36 = vector.broadcast %max3A_35 : f32 to vector<1024x1024xf32>
    %max3A_37 = arith.maximumf %sub3A_34, %max3A_36 : vector<1024x1024xf32>
    %mul3A_38 = arith.mulf %max3A_33, %max3A_37 : vector<1024x1024xf32>
    %add3A = vector.broadcast %mul3A : vector<1024x1xf32> to vector<1024x1024xf32>
    %add3A_39 = vector.broadcast %mul3A_19 : vector<1x1024xf32> to vector<1024x1024xf32>
    %add3A_40 = arith.addf %add3A, %add3A_39 : vector<1024x1024xf32>
    %sub3A_41 = arith.subf %add3A_40, %mul3A_38 : vector<1024x1024xf32>
    %max3A_42 = arith.constant 9.99999971E-10 : f32
    %max3A_43 = vector.broadcast %max3A_42 : f32 to vector<1024x1024xf32>
    %max3A_44 = arith.maximumf %sub3A_41, %max3A_43 : vector<1024x1024xf32>
    %div3A = arith.divf %mul3A_38, %max3A_44 : vector<1024x1024xf32>
    %swap3A = arith.constant 0 : index
    %swap3A_45 = arith.constant 0 : index
    %swap3A_46 = vector.load %arg5[%swap3A, %swap3A_45] : memref<1024x1024xf32, #tpu.memory_space<vmem>>, vector<1024x1024xf32>
    tpu.vector_store %arg5[%swap3A, %swap3A_45], %div3A {strides = array<i32>} : memref<1024x1024xf32, #tpu.memory_space<vmem>>, vector<1024x1024xf32>,
    %iota3A = tpu.iota {dimensions = array<i32: 1>} : vector<1x1024xi32>
    %get3A_47 = arith.constant 0 : index
    %get3A_48 = arith.constant 0 : index
    %get3A_49 = arith.constant 0 : index
    %get3A_50 = vector.load %arg3[%get3A_47, %get3A_48, %get3A_49] : memref<1x1x1024xf32, #tpu.memory_space<vmem>>, vector<1x1x1024xf32>
    %get3A_51 = vector.shape_cast %get3A_50 : vector<1x1x1024xf32> to vector<1x1024xf32>
    %swap3A_52 = arith.constant 0 : index
    %swap3A_53 = arith.constant 0 : index
    %swap3A_54 = arith.constant 0 : index
    %swap3A_55 = vector.load %arg4[%swap3A_52, %swap3A_53, %swap3A_54] : memref<1x1x1024xf32, #tpu.memory_space<vmem>>, vector<1x1x1024xf32>
    %swap3A_56 = vector.shape_cast %swap3A_55 : vector<1x1x1024xf32> to vector<1x1024xf32>
    %swap3A_57 = vector.shape_cast %get3A_51 : vector<1x1024xf32> to vector<1x1x1024xf32>
    tpu.vector_store %arg4[%swap3A_52, %swap3A_53, %swap3A_54], %swap3A_57 {strides = array<i32>} : memref<1x1x1024xf32, #tpu.memory_space<vmem>>, vector<1x1x1024xf32>,
    %scan3A = arith.constant 0 : i32
    %scan3A_58 = arith.constant 1000 : i32
    %scan3A_59 = arith.addi %scan3A, %scan3A_58 : i32
    %scan3A_60 = arith.constant 1 : i32
    scf.for %scan3A_62 = %scan3A to %scan3A_59 step %scan3A_60  : i32 {
      %get3A_63 = arith.index_cast %scan3A_62 : i32 to index
      %get3A_64 = arith.constant 0 : index
      %get3A_65 = vector.load %arg5[%get3A_63, %get3A_64] : memref<1024x1024xf32, #tpu.memory_space<vmem>>, vector<1x1024xf32>
      %get3A_66 = arith.constant 0 : index
      %get3A_67 = arith.constant 0 : index
      %get3A_68 = arith.constant 0 : index
      %get3A_69 = vector.load %arg4[%get3A_66, %get3A_67, %get3A_68] : memref<1x1x1024xf32, #tpu.memory_space<vmem>>, vector<1x1x1024xf32>
      %get3A_70 = vector.shape_cast %get3A_69 : vector<1x1x1024xf32> to vector<1x1024xf32>
      %eq3A = vector.broadcast %scan3A_62 : i32 to vector<1x1024xi32>
      %eq3A_71 = arith.cmpi eq, %iota3A, %eq3A : vector<1x1024xi32>
      %convert_element_type3A = arith.extui %eq3A_71 : vector<1x1024xi1> to vector<1x1024xi32>
      %convert_element_type3A_72 = arith.sitofp %convert_element_type3A : vector<1x1024xi32> to vector<1x1024xf32>
      %mul3A_73 = arith.mulf %get3A_70, %convert_element_type3A_72 : vector<1x1024xf32>
      %reduce_sum3A = vector.shape_cast %mul3A_73 : vector<1x1024xf32> to vector<1x1x1024xf32>
      %reduce_sum3A_74 = arith.constant dense<0.000000e+00> : vector<1xf32>
      %reduce_sum3A_75 = vector.multi_reduction <add>, %reduce_sum3A, %reduce_sum3A_74 [1, 2] : vector<1x1x1024xf32> to vector<1xf32>
      %reduce_sum3A_76 = vector.shape_cast %reduce_sum3A_75 : vector<1xf32> to vector<1x1x1xf32>
      %reduce_sum3A_77 = vector.extract %reduce_sum3A_76[0, 0, 0] : f32 from vector<1x1x1xf32>
      %gt3A = arith.constant 0.699999988 : f32
      %gt3A_78 = vector.broadcast %gt3A : f32 to vector<1x1024xf32>
      %gt3A_79 = arith.cmpf ogt, %get3A_65, %gt3A_78 : vector<1x1024xf32>
      %gt3A_80 = vector.broadcast %scan3A_62 : i32 to vector<1x1024xi32>
      %gt3A_81 = arith.cmpi sgt, %iota3A, %gt3A_80 : vector<1x1024xi32>
      %and3A = arith.andi %gt3A_79, %gt3A_81 : vector<1x1024xi1>
      %gt3A_82 = arith.constant 5.000000e-01 : f32
      %gt3A_83 = arith.cmpf ogt, %reduce_sum3A_77, %gt3A_82 : f32
      %and3A_84 = vector.broadcast %gt3A_83 : i1 to vector<1x1024xi1>
      %and3A_85 = arith.andi %and3A, %and3A_84 : vector<1x1024xi1>
      %convert_element_type3A_86 = arith.extui %and3A_85 : vector<1x1024xi1> to vector<1x1024xi32>
      %convert_element_type3A_87 = arith.sitofp %convert_element_type3A_86 : vector<1x1024xi32> to vector<1x1024xf32>
      %sub3A_88 = arith.constant 1.000000e+00 : f32
      %sub3A_89 = vector.broadcast %sub3A_88 : f32 to vector<1x1024xf32>
      %sub3A_90 = arith.subf %sub3A_89, %convert_element_type3A_87 : vector<1x1024xf32>
      %mul3A_91 = arith.mulf %get3A_70, %sub3A_90 : vector<1x1024xf32>
      %swap3A_92 = arith.constant 0 : index
      %swap3A_93 = arith.constant 0 : index
      %swap3A_94 = arith.constant 0 : index
      %swap3A_95 = vector.load %arg4[%swap3A_92, %swap3A_93, %swap3A_94] : memref<1x1x1024xf32, #tpu.memory_space<vmem>>, vector<1x1x1024xf32>
      %swap3A_96 = vector.shape_cast %swap3A_95 : vector<1x1x1024xf32> to vector<1x1024xf32>
      %swap3A_97 = vector.shape_cast %mul3A_91 : vector<1x1024xf32> to vector<1x1x1024xf32>
      tpu.vector_store %arg4[%swap3A_92, %swap3A_93, %swap3A_94], %swap3A_97 {strides = array<i32>} : memref<1x1x1024xf32, #tpu.memory_space<vmem>>, vector<1x1x1024xf32>,
    }
    %scan3A_61 = arith.constant 1000 : i32
    return
  }
  func.func @transform_0(%arg0: i32) -> (i32, i32, i32) {
    %c0_i32 = arith.constant 0 : i32
    %c0_i32_0 = arith.constant 0 : i32
    %c0_i32_1 = arith.constant 0 : i32
    return %arg0, %c0_i32, %c0_i32_0 : i32, i32, i32
  }
  func.func @transform_1(%arg0: i32) -> (i32, i32, i32) {
    %c0_i32 = arith.constant 0 : i32
    %c0_i32_0 = arith.constant 0 : i32
    %c0_i32_1 = arith.constant 0 : i32
    return %arg0, %c0_i32, %c0_i32_0 : i32, i32, i32
  }
  func.func @transform_2(%arg0: i32) -> (i32, i32, i32) {
    %c0_i32 = arith.constant 0 : i32
    %c0_i32_0 = arith.constant 0 : i32
    %c0_i32_1 = arith.constant 0 : i32
    return %arg0, %c0_i32, %c0_i32_0 : i32, i32, i32
  }
  func.func @transform_3(%arg0: i32) -> (i32, i32, i32) {
    %c0_i32 = arith.constant 0 : i32
    %c0_i32_0 = arith.constant 0 : i32
    %c0_i32_1 = arith.constant 0 : i32
    return %arg0, %c0_i32, %c0_i32_0 : i32, i32, i32
  }
}

</mosaic_0001>

<sc_bundles>
// kernel: gather_offload_async_start.1
scs
__scs_entry_jumppad:
0x0: {  	(pc) =	sbr.rel $0x88, $3  }
0x1: {  	(tag) =	ssettag $0x0;
	lr =	simm.s32 $0x1  }
0x2: {  	[smem:$0x3F9F] =	sst lr;
	_ =	strace $0xD0000000  }
0x3: {  	_ = 	snop  }
0x4: {  	_ = 	snop  }
0x5: {  	_ = 	snop  }
0x6: {  	_ = 	snop  }
0x7: {  	_ = 	snop  }
__scs_overlays_trampoline_lowered:
0x8: {  	[smem:$0x3FAE] =	sst s0  }
0x9: {  	[smem:$0x3FAF] =	sst s1  }
0xa: {  	[smem:$0x3FB0] =	sst s2  }
0xb: {  	[smem:$0x3FB1] =	sst s3  }
0xc: {  	[smem:$0x3FB2] =	sst s4  }
0xd: {  	[smem:$0x3FB3] =	sst s5  }
0xe: {  	[smem:$0x3FB4] =	sst s6  }
0xf: {  	[smem:$0x3FB5] =	sst s7  }
0x10: {  	[smem:$0x3FB6] =	sst s8  }
0x11: {  	[smem:$0x3FB7] =	sst s9;
	s0 =	simm.s32 @!p0 $0x0  }
0x12: {  	s1 =	sld [smem:$0x3F9D];
	s0 =	simm.s32 @p0 $0x1  }
0x13: {  	[smem:$0x3FB8] =	sst s0;
	s0 =	simm.s32 @!p1 $0x0  }
0x14: {  	s2 =	sld [smem:$0x3F9C];
	s0 =	simm.s32 @p1 $0x1  }
0x15: {  	[smem:$0x3FB9] =	sst s0;
	s0 =	simm.s32 @!p2 $0x0  }
0x16: {  	s3 =	sld [smem:$0x3FDB];
	s0 =	simm.s32 @p2 $0x1  }
0x17: {  	s4 =	simm.s32 $0x1BF5;
	[smem:$0x3FBB] =	sst s0  }
0x18: {  	s0 =	sld [smem:$0x3F9E];
	_ =	swait.ge [sflag:s4], $0x0  }
0x19: {  	s7 =	sld [smem:$0x3F9F]  }
0x1a: {  	s8 =	sadd.s32 $0xFFFFE003, lr  }
0x1b: {  	s9 =	sadd.s32 $0xFFFFFEF7, lr;
	s5 =	simm.s32 $0xFFFFFFFF;
	p2 =	slt.u32 s8, $0xFFFFF086  }
0x1c: {  	p1 =	slt.u32 s9, $0xF7A;
	s5 =	simm.s32 @!p2 $0x0  }
0x1d: {  	s5 =	simm.s32 @p1 $0x1;
	p0 =	seq.s32 s7, s2  }
0x1e: {  	s7 =	smul.u32 @!p0 $0xF7A, s2;
	p2 =	seq.s32 @!p0 s5, $0x0  }
0x1f: {  	s9 =	smul.u32 $0xF7A, s1;
	s8 =	simm.s32 @!p0 $0x1BF5;
	p2 =	por !p2, p0  }
0x20: {  	[sflag:s8] =	ssyncset.s32 @!p0 $0xFFFFF086;
	s6 =	sadd.s32 @!p0 s3, s7;
	s7 =	simm.s32 @!p0 $0x108  }
0x21: {  	s3 =	sadd.s32 s3, s9;
	s6 =	sadd.s32 @!p0 $0x88, s6;
	s7 =	simm.s32 @p2 $0x1082  }
0x22: {  	[simem:s7], [sflag:s8] =	dma.local @!p0 [hbm:s6], $0xF7A  }
0x23: {  	s9 =	sor.u32 $0xD0000000, s2;
	s6 =	simm.s32 $0x108;
	_ =	swait.ge @!p0 [sflag:s8], $0x0  }
0x24: {  	s3 =	sadd.s32 $0x88, s3;
	s6 =	simm.s32 @!p1 $0x1082;
	[sflag:s4] =	ssyncset.s32 $0xFFFFF086  }
0x25: {  	[simem:s6], [sflag:s4] =	dma.local [hbm:s3], $0xF7A  }
0x26: {  	[smem:$0x3F9F] =	sst s1;
	(tag) =	ssettag s2;
	_ =	strace s9  }
0x27: {  	s1 =	sld [smem:$0x3FAF]  }
0x28: {  	s2 =	sld [smem:$0x3FB0]  }
0x29: {  	s4 =	sld [smem:$0x3FB2]  }
0x2a: {  	p0 =	seq.s32 s5, $0x0;
	s5 =	sld [smem:$0x3FB3]  }
0x2b: {  	s6 =	sld [smem:$0x3FB4]  }
0x2c: {  	s7 =	sld [smem:$0x3FB5]  }
0x2d: {  	s3 =	simm.s32 $0x108;
	s8 =	sld [smem:$0x3FB6]  }
0x2e: {  	s3 =	simm.s32 @!p0 $0x1082;
	s9 =	sld [smem:$0x3FB7]  }
0x2f: {  	lr =	sadd.s32 s0, s3;
	s0 =	sld [smem:$0x3FAE]  }
0x30: {  	s3 =	sld [smem:$0x3FB1]  }
0x31: {  	[smem:$0x3FBA] =	sst s10  }
0x32: {  	s10 =	sld [smem:$0x3FB8];
	_ =	sdelay $0x3  }
0x33: {  	p0 =	seq.s32 s10, $0x1;
	s10 =	sld [smem:$0x3FBA];
	_ =	sdelay $0x3  }
0x34: {  	[smem:$0x3FBA] =	sst s10  }
0x35: {  	s10 =	sld [smem:$0x3FB9];
	_ =	sdelay $0x3  }
0x36: {  	p1 =	seq.s32 s10, $0x1;
	s10 =	sld [smem:$0x3FBA];
	_ =	sdelay $0x3  }
0x37: {  	[smem:$0x3FBA] =	sst s10  }
0x38: {  	s10 =	sld [smem:$0x3FBB]  }
0x39: {  	_ = 	snop;
	(pc) =	sbr.ind lr, $3  }
0x3a: {  	_ = 	snop  }
0x3b: {  	_ = 	snop  }
0x3c: {  	p2 =	seq.s32 s10, $0x1;
	s10 =	sld [smem:$0x3FBA]  }
0x3d: {  	_ =	shalt  }
0x3e: {  	_ =	shalt  }
0x3f: {  	_ =	shalt  }
0x40: {  	_ =	shalt  }
0x41: {  	_ =	shalt  }
0x42: {  	_ =	shalt  }
0x43: {  	_ =	shalt  }
0x44: {  	_ =	shalt  }
0x45: {  	_ =	shalt  }
0x46: {  	_ =	shalt  }
0x47: {  	_ =	shalt  }
0x48: {  	_ =	shalt  }
0x49: {  	_ =	shalt  }
0x4a: {  	_ =	shalt  }
0x4b: {  	_ =	shalt  }
0x4c: {  	_ =	shalt  }
0x4d: {  	_ =	shalt  }
0x4e: {  	_ =	shalt  }
0x4f: {  	_ =	shalt  }
0x50: {  	_ =	shalt  }
0x51: {  	_ =	shalt  }
0x52: {  	_ =	shalt  }
0x53: {  	_ =	shalt  }
0x54: {  	_ =	shalt  }
0x55: {  	_ =	shalt  }
0x56: {  	_ =	shalt  }
0x57: {  	_ =	shalt  }
0x58: {  	_ =	shalt  }
0x59: {  	_ =	shalt  }
0x5a: {  	_ =	shalt  }
0x5b: {  	_ =	shalt  }
0x5c: {  	_ =	shalt  }
0x5d: {  	_ =	shalt  }
0x5e: {  	_ =	shalt  }
0x5f: {  	_ =	shalt  }
0x60: {  	_ =	shalt  }
0x61: {  	_ =	shalt  }
0x62: {  	_ =	shalt  }
0x63: {  	_ =	shalt  }
0x64: {  	_ =	shalt  }
0x65: {  	_ =	shalt  }
0x66: {  	_ =	shalt  }
0x67: {  	_ =	shalt  }
0x68: {  	_ =	shalt  }
0x69: {  	_ =	shalt  }
0x6a: {  	_ =	shalt  }
0x6b: {  	_ =	shalt  }
0x6c: {  	_ =	shalt  }
0x6d: {  	_ =	shalt  }
0x6e: {  	_ =	shalt  }
0x6f: {  	_ =	shalt  }
0x70: {  	_ =	shalt  }
0x71: {  	_ =	shalt  }
0x72: {  	_ =	shalt  }
0x73: {  	_ =	shalt  }
0x74: {  	_ =	shalt  }
0x75: {  	_ =	shalt  }
0x76: {  	_ =	shalt  }
0x77: {  	_ =	shalt  }
0x78: {  	_ =	shalt  }
0x79: {  	_ =	shalt  }
0x7a: {  	_ =	shalt  }
0x7b: {  	_ =	shalt  }
0x7c: {  	_ =	shalt  }
0x7d: {  	_ =	shalt  }
0x7e: {  	_ =	shalt  }
0x7f: {  	_ =	shalt  }
0x80: {  	_ =	shalt  }
0x81: {  	_ =	shalt  }
0x82: {  	_ =	shalt  }
0x83: {  	_ =	shalt  }
0x84: {  	_ =	shalt  }
0x85: {  	_ =	shalt  }
0x86: {  	_ =	shalt  }
0x87: {  	_ =	shalt  }
.Lfunc_end0:
.L_simem_size_0:
called_computation.1_lowered:
.L_overlay_start_0:
0x88: {  	s2 =	sld [smem:$0x3FD9]  }
0x89: {  	s3 =	sld [smem:$0x3FFE];
	_ =	sdelay $0x1  }
0x8a: {  	s1 =	srdreg.scid  }
0x8b: {  	s0 =	sand.u32 $0x1, s1  }
0x8c: {  	s15 =	sshll.u32 s0, $0xA;
	s2 =	sadd.s32 s3, s2  }
0x8d: {  	s2 =	sadd.s32 s2, s15  }
0x8e: {  	[smem:$0x3FC6] =	sst s2  }
0x8f: {  	_ = 	snop  }
0x90: {  	s2 =	sld [smem:$0x3FD0];
	_ =	sdelay $0x2  }
0x91: {  	s16 =	simm.s32 $0xB;
	s4 =	simm.s32 $0x10  }
0x92: {  	[smem:s4], [sflag:s16] =	dma.local [hbm:s2], $0x1  }
0x93: {  	_ =	swait.eq [sflag:s16], $0x1  }
0x94: {  	[sflag:s16] =	ssyncset.done $0x0  }
0x95: {  	[sflag:s16] =	ssyncadd.s32 $0xFFFFFFFF  }
0x96: {  	s17 =	sld [smem:$0x10];
	(tm) =	ssettm $0x1  }
0x97: {  	s18 =	sld [smem:$0x3FFB];
	_ =	sdelay $0x3  }
0x98: {  	_ =	strace s18  }
0x99: {  	s2 =	sld [smem:$0x3FFC];
	_ =	sdelay $0x3  }
0x9a: {  	_ =	strace s2  }
0x9b: {  	s2 =	sld [smem:$0x3FFD];
	_ =	sdelay $0x3  }
0x9c: {  	_ =	strace s2  }
0x9d: {  	_ =	strace $0x8FFFFFFF  }
0x9e: {  	s19 =	sld [smem:$0x3FDB];
	_ =	sdelay $0x1  }
0x9f: {  	s20 =	simm.s32 $_scs_section_size  }
0xa0: {  	s5 =	simm.s32 $_size__tile_overlayer_lowered;
	s6 =	simm.s32 $_tile_overlayer_lowered  }
0xa1: {  	s7 =	simm.s32 $0x1BFF;
	s21 =	sshll.u32 s6, $0x1;
	s4 =	sadd.s32 s20, s19  }
0xa2: {  	s22 =	simm.s32 $0x0;
	s5 =	sshll.u32 s5, $0x1;
	s6 =	sadd.s32 s21, s4  }
0xa3: {  	[timem:s22], [sflag:s7] =	dma.local [hbm:s6], s5  }
0xa4: {  	_ =	swait.ge [sflag:s7], s5  }
0xa5: {  	s5 =	ssub.s32 $0x0, s5;
	[sflag:s7] =	ssyncset.done $0x0  }
0xa6: {  	[sflag:s7] =	ssyncadd.s32 s5;
	_ =	sdelay $0x1  }
0xa7: {  	s23 =	simm.s32 $0x1B8B  }
0xa8: {  	_ =	swait.ge [sflag:s23], $0x1  }
0xa9: {  	[sflag:s23] =	ssyncset.done $0x0  }
0xaa: {  	[sflag:s23] =	ssyncadd.s32 $0xFFFFFFFF  }
0xab: {  	s5 =	sld [smem:$0x0]  }
0xac: {  	s6 =	sand.u32 $0xFFFFFFFE, s1  }
0xad: {  	p0 =	sne.s32 s1, s6  }
0xae: {  	s6 =	sshll.u32 @p0 s6, $0xE  }
0xaf: {  	s6 =	sadd.s32 @p0 $0x11B8D, s6;
	s7 =	sshll.u32 @p0 s5, $0x11  }
0xb0: {  	s6 =	sor.u32 @p0 s7, s6  }
0xb1: {  	[sflag:s6] =	ssyncadd.remote.s32 @p0 $0x1;
	_ =	sdelay $0x1  }
0xb2: {  	s6 =	simm.s32 @p0 $0x1B8D  }
0xb3: {  	_ =	swait.eq @p0 [sflag:s6], $0x1  }
0xb4: {  	[sflag:s6] =	ssyncadd.s32 @p0 $0xFFFFFFFF  }
0xb5: {  	s7 =	sshll.u32 @!p0 s1, $0xE  }
0xb6: {  	s7 =	sor.u32 @!p0 $0x4000, s7;
	s6 =	simm.s32 @!p0 $0x1B8D  }
0xb7: {  	s5 =	sshll.u32 @!p0 s5, $0x11;
	s7 =	sadd.s32 @!p0 $0x11B8D, s7;
	_ =	swait.eq @!p0 [sflag:s6], $0x1  }
0xb8: {  	s5 =	sor.u32 @!p0 s5, s7;
	[sflag:s6] =	ssyncadd.s32 @!p0 $0xFFFFFFFF  }
0xb9: {  	s25 =	simm.s32 $0x1B8E;
	s24 =	sld [smem:$0x3FFE];
	[sflag:s5] =	ssyncadd.remote.s32 @!p0 $0x1  }
0xba: {  	s26 =	simm.s32 $execute0_lowered;
	[smem:$0x3FD2] =	sst s25  }
0xbb: {  	s6 =	sshll.u32 s26, $0x1;
	_ =	strace $0x8000004F;
	[dreg:$0x1] =	wrdreg $0xFFFFFFFF  }
0xbc: {  	s28 =	simm.s32 $_size_execute0_lowered;
	s4 =	sadd.s32 s4, s6;
	[dreg:$0x0] =	wrdreg $0x0  }
0xbd: {  	s6 =	sshll.u32 s28, $0x1;
	[dreg:$0x2] =	wrdreg s4  }
0xbe: {  	[dreg:$0x3] =	wrdreg s6  }
0xbf: {  	[dreg:$0x4] =	wrdreg $0xC0  }
0xc0: {  	_ =	task [dreg:s22], $0x5FFFF  }
0xc1: {  	[dreg:$0x1] =	wrdreg $0xFFFFFFFF  }
0xc2: {  	[dreg:$0x0] =	wrdreg $0x60  }
0xc3: {  	[dreg:$0x2] =	wrdreg s24  }
0xc4: {  	[dreg:$0x3] =	wrdreg s17  }
0xc5: {  	[dreg:$0x4] =	wrdreg $0x9  }
0xc6: {  	_ =	task.clear_ibuf [dreg:s22], $0x5FFFF;
	_ =	strace $0x9000004F  }
0xc7: {  	s29 =	simm.s32 $0x9;
	_ =	strace $0x80000051  }
0xc8: {  	_ =	swait.ge [sflag:s29], $0x1  }
0xc9: {  	[sflag:s29] =	ssyncadd.s32 $0xFFFFFFFF  }
0xca: {  	_ =	strace $0x90000051  }
0xcb: {  	_ =	sfence  }
0xcc: {  	s30 =	sld [smem:$0x0];
	_ =	sdelay $0x2  }
0xcd: {  	s31 =	sshll.u32 s1, $0xD;
	s1 =	sshrl.u32 s1, $0x2  }
0xce: {  	s4 =	sand.u32 $0x4000, s31;
	s1 =	sadd.s32 s1, s30  }
0xcf: {  	s0 =	sor.u32 s4, s0;
	s1 =	sshll.u32 s1, $0x11  }
0xd0: {  	s0 =	sor.u32 s1, s0  }
0xd1: {  	s0 =	sadd.s32 $0x8F2B, s0  }
0xd2: {  	[sflag:s0] =	ssyncadd.remote.s32 $0x1  }
0xd3: {  	_ =	sfence.sel $0xFFFF  }
0xd4: {  	[dreg:$0x0] =	wrdreg $0xFFFFFFFF;
	(pc) =	sbr.abs _section_cstart, $3  }
0xd5: {  	[dreg:$0x1] =	wrdreg $0xFFFFFFFF  }
0xd6: {  	_ =	task.clear_ibuf [dreg:s22], $0x2FFFF;
	_ =	strace $0x9FFFFFFF  }
0xd7: {  	(tm) =	ssettm $0x7FFFFFFF  }
tec
execute0_lowered:
.L_overlay_start_1:
0x0: {  	(tag) =	ssettag $0x1  }
0x1: {  	s0 =	srdreg.scid  }
0x2: {  	s1 =	sshll.u32 s0, $0x4  }
0x3: {  	s0 =	stileid.u32;
	s1 =	sand.u32 $0x10, s1  }
0x4: {  	s2 =	sor.u32 s0, s1  }
0x5: {  	s1 =	smin.u32 s2, $0x12  }
0x6: {  	s1 =	sadd.s32 s2, s1  }
0x7: {  	p0 =	slt.u32 s2, $0x12;
	s2 =	simm.s32 $0xA0;
	s1 =	smul.u32 $0x50, s1  }
0x8: {  	s2 =	simm.s32 @!p0 $0x50  }
0x9: {  	s2 =	sadd.s32 s2, s1  }
0xa: {  	s3 =	smin.u32 s2, $0xFA0  }
0xb: {  	s7 =	ssub.s32 s3, s1  }
0xc: {  	p0 =	sgt.s32 s7, $0x0  }
0xd: {  	s7 =	simm.s32 @!p0 $0x0  }
0xe: {  	s9 =	rddreg [dreg:$0x0];
	s31 =	smul.u32 $0xCCCD, s7  }
0xf: {  	s4 =	rddreg [dreg:$0x1];
	s6 =	simm.s32 $0x1  }
0x10: {  	s11 =	simm.s32 $0x3;
	s13 =	simm.s32 $0x0;
	s8 =	sshrl.u32 s31, $0x16  }
0x11: {  	s12 =	simm.s32 $0x0;
	s5 =	sadd.s32 $0x400, s9;
	s10 =	smul.u32 $0x50, s8  }
.Ltmp0:
0x12: {  	s9 =	sadd.s32 $0x10000, s9;
	s2 =	rddreg [dreg:$0x2];
	(pc) =	sbr.rel .LBB2_1-.Ltmp0, $4  }
0x13: {  	_ =	strace $0x80000050;
	p0 =	sne.s32 s7, s10;
	s10 =	simm.s32 $0x1  }
0x14: {  	[sflag:s6] =	ssyncpa.u1 $0x0;
	s7 =	simm.s32 $0x2;
	s10 =	simm.s32 @!p0 $0x0  }
0x15: {  	[sflag:s7] =	ssyncpa.u1 $0x0;
	p0 =	por $0x0, $0x0;
	s8 =	sadd.s32 s8, s10  }
0x16: {  	vm0 =	vmmov $0xff;
	vm1 =	vcmask $0x3F20;
	[sflag:s11] =	ssyncpa.u1 $0x0;
	s11 =	smov.u32 s1;
	s10 =	sadd.s32 $0x1, s8  }
.LBB2_6:
0x17: {  	[hbm:s17] =	stream.linear.scatter [tilespmem:s14], [sflag:$0x3], $0x400, $0x38;
	[tilespmem:$0x50A0] =	vst v63  }
.LBB2_7:
0x18: {  	s13 =	sadd.s32 $0x50, s11  }
0x19: {  	s15 =	smov.u32 s1;
	p2 =	slt.s32 s13, s3  }
0x1a: {  	s15 =	smov.u32 @p2 s13;
	p2 =	sne.s32 s12, s10  }
.Ltmp1:
0x1b: {  	p1 =	slt.u32 s12, $0x2;
	(pc) =	sbr.rel @!p2 .LBB2_8-.Ltmp1, $4  }
0x1c: {  	s14 =	simm.s32 @!p1 $0x3  }
0x1d: {  	s16 =	sadd.s32 $0x1, s12;
	_ =	swait.ge @!p1 [sflag:s14], $0x2800  }
0x1e: {  	p0 =	por !p0, !p0;
	s13 =	smov.u32 s11;
	[sflag:s14] =	ssyncset.done @!p1 $0x0  }
0x1f: {  	s12 =	smov.u32 s16;
	s11 =	smov.u32 s15;
	[sflag:s14] =	ssyncadd.s32 @!p1 $0xFFFFD800  }
.LBB2_1:
0x20: {  	p1 =	sge.u32 s12, s8  }
0x21: {  	s14 =	sxor.u32 @!p1 $0xFFFFFFFF, s12  }
0x22: {  	s14 =	sand.u32 @!p1 $0x1, s14  }
0x23: {  	s14 =	smul.u32 @!p1 $0x140, s14  }
0x24: {  	s31 =	sadd.s32 $0xFFFFFFFF, s12;
	s15 =	sshrl.u32 @!p1 s11, $0x3  }
0x25: {  	s16 =	sand.u32 @!p1 $0x7, s11;
	s15 =	sadd.s32 @!p1 s4, s15;
	s14 =	sshrl.u32 @!p1 s14, $0x2  }
0x26: {  	[tilespmem:s14], [sflag:$0x2] =	stream.linear.gather @!p1 [hbm4b:s15+s16], $0x50, $0x38;
	[tilespmem:$0x50A0] =	vst v63  }
0x27: {  	p1 =	sge.u32 s31, s8  }
.Ltmp2:
0x28: {  	_ = 	snop;
	(pc) =	sbr.rel @p1 .LBB2_7-.Ltmp2, $1  }
0x29: {  	_ =	sdelay $0x3  }
0x2a: {  	s14 =	simm.s32 $0x1  }
0x2b: {  	s14 =	simm.s32 @!p0 $0x0  }
0x2c: {  	s15 =	smul.u32 $0x140, s14  }
0x2d: {  	_ =	swait.ge [sflag:s7], $0x50  }
0x2e: {  	[sflag:s7] =	ssyncset.done $0x0;
	s16 =	sshrl.u32 s15, $0x2  }
0x2f: {  	[sflag:s7] =	ssyncadd.s32 $0xFFFFFFB0;
	s15 =	sadd.s32 $0x0, s16  }
0x30: {  	v0 =	vld.msk [tilespmem:s15+$0x0 ss:$0x1], $0xffff;
	_ =	sdelay $0x4  }
0x31: {  	v1 =	vand.u32 $0x3, v0;
	v2 =	vshll.u32 v0, $0x5  }
0x32: {  	vm2 =	veq.s32 v0, $0x80000000;
	v0 =	vmul.u32 $0x1F400, v1;
	v1 =	vand.u32 $0x1FF80, v2  }
0x33: {  	v1 =	vsel vm2, $0xFFFFFF80, v1  }
0x34: {  	v0 =	vsel vm2, $0xFFFE0C00, v0;
	v2 =	vand.u32 $0xFFFFFC00, v1  }
0x35: {  	v1 =	vand.u32 $0x380, v1;
	v0 =	vadd.s32 v0, v2  }
0x36: {  	v0 =	vor.u32 v1, v0  }
0x37: {  	v0 =	vshrl.u32 v0, $0x3  }
0x38: {  	s14 =	smul.u32 $0xA000, s14;
	_ =	sdelay $0x1  }
0x39: {  	s14 =	sshrl.u32 s14, $0x2  }
0x3a: {  	s14 =	sor.u32 $0xA0, s14  }
0x3b: {  	[tilespmem:s14], [sflag:$0x1] =	stream.indirect_vreg.gather [hbm:s5], $0x80, v0, vm0, $0x38;
	[tilespmem:$0x50A0] =	vst v63  }
0x3c: {  	s17 =	sadd.s32 $0x10, s16;
	s15 =	sadd.s32 $0x400, s14  }
0x3d: {  	[tilespmem:s15], [sflag:$0x1] =	stream.indirect_vreg.gather [hbm:s5], $0x80, v0, vm1, $0x38;
	[tilespmem:$0x50A0] =	vst v63  }
0x3e: {  	s18 =	simm.s32 $0x80;
	v0 =	vld.msk [tilespmem:s17+$0x0 ss:$0x1], $0xffff;
	s17 =	smov.u32 s14  }
.LBB2_3:
0x3f: {  	p1 =	sne.s32 s18, $0x100;
	_ =	sdelay $0x4  }
0x40: {  	v1 =	vand.u32 $0x3, v0;
	v2 =	vshll.u32 v0, $0x5  }
0x41: {  	vm2 =	veq.s32 v0, $0x80000000;
	v0 =	vmul.u32 $0x1F400, v1;
	v1 =	vand.u32 $0x1FF80, v2  }
0x42: {  	v1 =	vsel vm2, $0xFFFFFF80, v1  }
0x43: {  	v0 =	vsel vm2, $0xFFFE0C00, v0;
	v2 =	vand.u32 $0xFFFFFC00, v1  }
0x44: {  	v1 =	vand.u32 $0x380, v1;
	v0 =	vadd.s32 v0, v2  }
0x45: {  	v0 =	vor.u32 v1, v0  }
0x46: {  	v0 =	vshrl.u32 v0, $0x3;
	_ =	sdelay $0x3  }
.Ltmp3:
0x47: {  	s19 =	sshra.s32 s18, $0x2;
	s17 =	sadd.s32 $0x800, s17;
	(pc) =	sbr.rel @p1 .LBB2_3-.Ltmp3, $4  }
0x48: {  	[tilespmem:s17], [sflag:$0x1] =	stream.indirect_vreg.gather [hbm:s5], $0x80, v0, vm0, $0x38;
	[tilespmem:$0x50A0] =	vst v63  }
0x49: {  	s19 =	sadd.s32 s19, s16;
	s20 =	sadd.s32 $0x400, s17  }
0x4a: {  	[tilespmem:s20], [sflag:$0x1] =	stream.indirect_vreg.gather [hbm:s5], $0x80, v0, vm1, $0x38;
	[tilespmem:$0x50A0] =	vst v63  }
0x4b: {  	s18 =	sadd.s32 $0x40, s18;
	v0 =	vld.msk [tilespmem:s19+$0x0 ss:$0x1], $0xffff  }
0x4c: {  	_ =	sdelay $0x3  }
0x4d: {  	v1 =	vand.u32 $0x3, v0;
	v2 =	vshll.u32 v0, $0x5  }
0x4e: {  	vm2 =	veq.s32 v0, $0x80000000;
	v61 =	vmul.u32 $0x1F400, v1;
	v62 =	vand.u32 $0x1FF80, v2  }
0x4f: {  	v1 =	vsel vm2, $0xFFFFFF80, v62  }
0x50: {  	v0 =	vsel vm2, $0xFFFE0C00, v61;
	v63 =	vand.u32 $0xFFFFFC00, v1  }
0x51: {  	v1 =	vand.u32 $0x380, v1;
	v0 =	vadd.s32 v0, v63  }
0x52: {  	v0 =	vor.u32 v1, v0  }
0x53: {  	v0 =	vshrl.u32 v0, $0x3;
	_ =	sdelay $0x3  }
0x54: {  	s16 =	sadd.s32 $0x800, s17  }
0x55: {  	[tilespmem:s16], [sflag:$0x1] =	stream.indirect_vreg.gather [hbm:s5], $0x80, v0, vm0, $0x38;
	[tilespmem:$0x50A0] =	vst v63  }
0x56: {  	s16 =	sadd.s32 $0x400, s16  }
0x57: {  	[tilespmem:s16], [sflag:$0x1] =	stream.indirect_vreg.gather [hbm:s5], $0x80, v0, vm1, $0x38;
	[tilespmem:$0x50A0] =	vst v63  }
0x58: {  	s13 =	sshll.u32 s13, $0x4;
	_ =	swait.ge [sflag:s6], $0x2800  }
0x59: {  	s13 =	sadd.s32 s13, s9;
	[sflag:s6] =	ssyncset.done $0x0  }
0x5a: {  	s17 =	sadd.s32 $0x0, s13;
	s16 =	simm.s32 $0x80;
	[sflag:s6] =	ssyncadd.s32 $0xFFFFD800  }
.LBB2_5:
0x5b: {  	[hbm:s17] =	stream.linear.scatter [tilespmem:s14], [sflag:$0x3], $0x400, $0x38;
	[tilespmem:$0x50A0] =	vst v63  }
0x5c: {  	s17 =	smov.u32 s16;
	s14 =	smov.u32 s15;
	p1 =	sne.s32 s16, $0x480  }
.Ltmp4:
0x5d: {  	s16 =	sadd.s32 $0x80, s16;
	(pc) =	sbr.rel @p1 .LBB2_5-.Ltmp4, $2  }
0x5e: {  	_ =	sdelay $0x2  }
0x5f: {  	s15 =	sadd.s32 $0x400, s15;
	s17 =	sadd.s32 s17, s13  }
.Ltmp5:
0x60: {  	_ = 	snop;
	(pc) =	sbr.rel .LBB2_6-.Ltmp5, $1  }
0x61: {  	_ =	sdelay $0x3  }
.LBB2_8:
0x62: {  	_ =	sfence.sel $0x180000  }
0x63: {  	s1 =	simm.s32 $0x2;
	[bflag:$0x0] =	sbarrier.arrive $0xFFFF  }
0x64: {  	s30 =	simm.s32 $0x3;
	[sflag:s1] =	ssyncpa.u1 $0x1  }
0x65: {  	s31 =	simm.s32 $0x1;
	[sflag:s30] =	ssyncpa.u1 $0x1  }
0x66: {  	[sflag:s31] =	ssyncpa.u1 $0x1  }
0x67: {  	p0 =	sne.s32 s0, $0x0;
	_ =	strace $0x90000050  }
0x68: {  	s0 =	sadd.s32 @!p0 $0x100000, s2;
	[bflag:$0x2] =	sbarrier.arrive $0xFFFF  }
0x69: {  	[sflag:s0] =	ssyncadd.tile.s32 @!p0 $0x1;
	_ =	shalt  }
.Lfunc_end2:
_tile_overlayer_lowered:
.L_overlay_start_2:
0x6a: {  	(tag) =	ssettag $0x2  }
0x6b: {  	s0 =	rddreg [dreg:$0x0];
	s2 =	stileid.u32  }
0x6c: {  	s1 =	rddreg [dreg:$0x1];
	p0 =	sne.s32 s2, $0x0  }
0x6d: {  	s3 =	rddreg [dreg:$0x2];
	[bflag:$0x3] =	sbarrier.arrive $0xFFFF;
	s2 =	simm.s32 @!p0 $0x1C01  }
0x6e: {  	[timem:s3], [sflag:s2] =	dma.local @!p0 [hbm:s0], s1  }
0x6f: {  	s0 =	simm.s32 @!p0 $0x1  }
0x70: {  	_ =	swait.ge @!p0 [sflag:s0], s1  }
0x71: {  	s1 =	ssub.s32 @!p0 $0x0, s1;
	[sflag:s0] =	ssyncset.done @!p0 $0x0  }
0x72: {  	[sflag:s0] =	ssyncadd.s32 @!p0 s1  }
0x73: {  	[bflag:$0x3] =	sbarrier.arrive $0xFFFF  }
0x74: {  	_ =	shalt  }

// kernel: gather_offload_async_start.2
scs
__scs_entry_jumppad:
0x0: {  	(pc) =	sbr.rel $0x88, $3  }
0x1: {  	(tag) =	ssettag $0x0;
	lr =	simm.s32 $0x1  }
0x2: {  	[smem:$0x3F9F] =	sst lr;
	_ =	strace $0xD0000000  }
0x3: {  	_ = 	snop  }
0x4: {  	_ = 	snop  }
0x5: {  	_ = 	snop  }
0x6: {  	_ = 	snop  }
0x7: {  	_ = 	snop  }
__scs_overlays_trampoline_lowered:
0x8: {  	[smem:$0x3FAE] =	sst s0  }
0x9: {  	[smem:$0x3FAF] =	sst s1  }
0xa: {  	[smem:$0x3FB0] =	sst s2  }
0xb: {  	[smem:$0x3FB1] =	sst s3  }
0xc: {  	[smem:$0x3FB2] =	sst s4  }
0xd: {  	[smem:$0x3FB3] =	sst s5  }
0xe: {  	[smem:$0x3FB4] =	sst s6  }
0xf: {  	[smem:$0x3FB5] =	sst s7  }
0x10: {  	[smem:$0x3FB6] =	sst s8  }
0x11: {  	[smem:$0x3FB7] =	sst s9;
	s0 =	simm.s32 @!p0 $0x0  }
0x12: {  	s1 =	sld [smem:$0x3F9D];
	s0 =	simm.s32 @p0 $0x1  }
0x13: {  	[smem:$0x3FB8] =	sst s0;
	s0 =	simm.s32 @!p1 $0x0  }
0x14: {  	s2 =	sld [smem:$0x3F9C];
	s0 =	simm.s32 @p1 $0x1  }
0x15: {  	[smem:$0x3FB9] =	sst s0;
	s0 =	simm.s32 @!p2 $0x0  }
0x16: {  	s3 =	sld [smem:$0x3FDB];
	s0 =	simm.s32 @p2 $0x1  }
0x17: {  	s4 =	simm.s32 $0x1BF5;
	[smem:$0x3FBB] =	sst s0  }
0x18: {  	s0 =	sld [smem:$0x3F9E];
	_ =	swait.ge [sflag:s4], $0x0  }
0x19: {  	s7 =	sld [smem:$0x3F9F]  }
0x1a: {  	s8 =	sadd.s32 $0xFFFFE003, lr  }
0x1b: {  	s9 =	sadd.s32 $0xFFFFFEF7, lr;
	s5 =	simm.s32 $0xFFFFFFFF;
	p2 =	slt.u32 s8, $0xFFFFF086  }
0x1c: {  	p1 =	slt.u32 s9, $0xF7A;
	s5 =	simm.s32 @!p2 $0x0  }
0x1d: {  	s5 =	simm.s32 @p1 $0x1;
	p0 =	seq.s32 s7, s2  }
0x1e: {  	s7 =	smul.u32 @!p0 $0xF7A, s2;
	p2 =	seq.s32 @!p0 s5, $0x0  }
0x1f: {  	s9 =	smul.u32 $0xF7A, s1;
	s8 =	simm.s32 @!p0 $0x1BF5;
	p2 =	por !p2, p0  }
0x20: {  	[sflag:s8] =	ssyncset.s32 @!p0 $0xFFFFF086;
	s6 =	sadd.s32 @!p0 s3, s7;
	s7 =	simm.s32 @!p0 $0x108  }
0x21: {  	s3 =	sadd.s32 s3, s9;
	s6 =	sadd.s32 @!p0 $0x88, s6;
	s7 =	simm.s32 @p2 $0x1082  }
0x22: {  	[simem:s7], [sflag:s8] =	dma.local @!p0 [hbm:s6], $0xF7A  }
0x23: {  	s9 =	sor.u32 $0xD0000000, s2;
	s6 =	simm.s32 $0x108;
	_ =	swait.ge @!p0 [sflag:s8], $0x0  }
0x24: {  	s3 =	sadd.s32 $0x88, s3;
	s6 =	simm.s32 @!p1 $0x1082;
	[sflag:s4] =	ssyncset.s32 $0xFFFFF086  }
0x25: {  	[simem:s6], [sflag:s4] =	dma.local [hbm:s3], $0xF7A  }
0x26: {  	[smem:$0x3F9F] =	sst s1;
	(tag) =	ssettag s2;
	_ =	strace s9  }
0x27: {  	s1 =	sld [smem:$0x3FAF]  }
0x28: {  	s2 =	sld [smem:$0x3FB0]  }
0x29: {  	s4 =	sld [smem:$0x3FB2]  }
0x2a: {  	p0 =	seq.s32 s5, $0x0;
	s5 =	sld [smem:$0x3FB3]  }
0x2b: {  	s6 =	sld [smem:$0x3FB4]  }
0x2c: {  	s7 =	sld [smem:$0x3FB5]  }
0x2d: {  	s3 =	simm.s32 $0x108;
	s8 =	sld [smem:$0x3FB6]  }
0x2e: {  	s3 =	simm.s32 @!p0 $0x1082;
	s9 =	sld [smem:$0x3FB7]  }
0x2f: {  	lr =	sadd.s32 s0, s3;
	s0 =	sld [smem:$0x3FAE]  }
0x30: {  	s3 =	sld [smem:$0x3FB1]  }
0x31: {  	[smem:$0x3FBA] =	sst s10  }
0x32: {  	s10 =	sld [smem:$0x3FB8];
	_ =	sdelay $0x3  }
0x33: {  	p0 =	seq.s32 s10, $0x1;
	s10 =	sld [smem:$0x3FBA];
	_ =	sdelay $0x3  }
0x34: {  	[smem:$0x3FBA] =	sst s10  }
0x35: {  	s10 =	sld [smem:$0x3FB9];
	_ =	sdelay $0x3  }
0x36: {  	p1 =	seq.s32 s10, $0x1;
	s10 =	sld [smem:$0x3FBA];
	_ =	sdelay $0x3  }
0x37: {  	[smem:$0x3FBA] =	sst s10  }
0x38: {  	s10 =	sld [smem:$0x3FBB]  }
0x39: {  	_ = 	snop;
	(pc) =	sbr.ind lr, $3  }
0x3a: {  	_ = 	snop  }
0x3b: {  	_ = 	snop  }
0x3c: {  	p2 =	seq.s32 s10, $0x1;
	s10 =	sld [smem:$0x3FBA]  }
0x3d: {  	_ =	shalt  }
0x3e: {  	_ =	shalt  }
0x3f: {  	_ =	shalt  }
0x40: {  	_ =	shalt  }
0x41: {  	_ =	shalt  }
0x42: {  	_ =	shalt  }
0x43: {  	_ =	shalt  }
0x44: {  	_ =	shalt  }
0x45: {  	_ =	shalt  }
0x46: {  	_ =	shalt  }
0x47: {  	_ =	shalt  }
0x48: {  	_ =	shalt  }
0x49: {  	_ =	shalt  }
0x4a: {  	_ =	shalt  }
0x4b: {  	_ =	shalt  }
0x4c: {  	_ =	shalt  }
0x4d: {  	_ =	shalt  }
0x4e: {  	_ =	shalt  }
0x4f: {  	_ =	shalt  }
0x50: {  	_ =	shalt  }
0x51: {  	_ =	shalt  }
0x52: {  	_ =	shalt  }
0x53: {  	_ =	shalt  }
0x54: {  	_ =	shalt  }
0x55: {  	_ =	shalt  }
0x56: {  	_ =	shalt  }
0x57: {  	_ =	shalt  }
0x58: {  	_ =	shalt  }
0x59: {  	_ =	shalt  }
0x5a: {  	_ =	shalt  }
0x5b: {  	_ =	shalt  }
0x5c: {  	_ =	shalt  }
0x5d: {  	_ =	shalt  }
0x5e: {  	_ =	shalt  }
0x5f: {  	_ =	shalt  }
0x60: {  	_ =	shalt  }
0x61: {  	_ =	shalt  }
0x62: {  	_ =	shalt  }
0x63: {  	_ =	shalt  }
0x64: {  	_ =	shalt  }
0x65: {  	_ =	shalt  }
0x66: {  	_ =	shalt  }
0x67: {  	_ =	shalt  }
0x68: {  	_ =	shalt  }
0x69: {  	_ =	shalt  }
0x6a: {  	_ =	shalt  }
0x6b: {  	_ =	shalt  }
0x6c: {  	_ =	shalt  }
0x6d: {  	_ =	shalt  }
0x6e: {  	_ =	shalt  }
0x6f: {  	_ =	shalt  }
0x70: {  	_ =	shalt  }
0x71: {  	_ =	shalt  }
0x72: {  	_ =	shalt  }
0x73: {  	_ =	shalt  }
0x74: {  	_ =	shalt  }
0x75: {  	_ =	shalt  }
0x76: {  	_ =	shalt  }
0x77: {  	_ =	shalt  }
0x78: {  	_ =	shalt  }
0x79: {  	_ =	shalt  }
0x7a: {  	_ =	shalt  }
0x7b: {  	_ =	shalt  }
0x7c: {  	_ =	shalt  }
0x7d: {  	_ =	shalt  }
0x7e: {  	_ =	shalt  }
0x7f: {  	_ =	shalt  }
0x80: {  	_ =	shalt  }
0x81: {  	_ =	shalt  }
0x82: {  	_ =	shalt  }
0x83: {  	_ =	shalt  }
0x84: {  	_ =	shalt  }
0x85: {  	_ =	shalt  }
0x86: {  	_ =	shalt  }
0x87: {  	_ =	shalt  }
.Lfunc_end0:
.L_simem_size_0:
called_computation.2_lowered:
.L_overlay_start_0:
0x88: {  	s0 =	sld [smem:$0x3FD9]  }
0x89: {  	s1 =	sld [smem:$0x3FFE];
	_ =	sdelay $0x3  }
0x8a: {  	s0 =	sadd.s32 s1, s0  }
0x8b: {  	[smem:$0x3FC6] =	sst s0  }
0x8c: {  	_ = 	snop  }
0x8d: {  	(tm) =	ssettm $0x1  }
0x8e: {  	s15 =	sld [smem:$0x3FFB];
	_ =	sdelay $0x3  }
0x8f: {  	_ =	strace s15  }
0x90: {  	s0 =	sld [smem:$0x3FFC];
	_ =	sdelay $0x3  }
0x91: {  	_ =	strace s0  }
0x92: {  	s0 =	sld [smem:$0x3FFD];
	_ =	sdelay $0x3  }
0x93: {  	_ =	strace s0  }
0x94: {  	_ =	strace $0x8FFFFFFF  }
0x95: {  	s16 =	sld [smem:$0x3FDB];
	_ =	sdelay $0x1  }
0x96: {  	s17 =	simm.s32 $_scs_section_size  }
0x97: {  	s2 =	simm.s32 $_size__tile_overlayer_lowered;
	s3 =	simm.s32 $_tile_overlayer_lowered  }
0x98: {  	s20 =	simm.s32 $0x1BFF;
	s19 =	sshll.u32 s3, $0x1;
	s0 =	sadd.s32 s17, s16  }
0x99: {  	s4 =	simm.s32 $0x0;
	s18 =	sshll.u32 s2, $0x1;
	s2 =	sadd.s32 s19, s0  }
0x9a: {  	[timem:s4], [sflag:s20] =	dma.local [hbm:s2], s18  }
0x9b: {  	_ =	swait.ge [sflag:s20], s18  }
0x9c: {  	s1 =	ssub.s32 $0x0, s18;
	[sflag:s20] =	ssyncset.done $0x0  }
0x9d: {  	[sflag:s20] =	ssyncadd.s32 s1;
	_ =	sdelay $0x1  }
0x9e: {  	s21 =	simm.s32 $0x1B8B  }
0x9f: {  	_ =	swait.ge [sflag:s21], $0x1  }
0xa0: {  	[sflag:s21] =	ssyncset.done $0x0  }
0xa1: {  	s23 =	simm.s32 $0x1B8E;
	s22 =	sld [smem:$0x3FFE];
	[sflag:s21] =	ssyncadd.s32 $0xFFFFFFFF  }
0xa2: {  	s24 =	simm.s32 $execute0_lowered;
	[smem:$0x3FD2] =	sst s23  }
0xa3: {  	s2 =	sshll.u32 s24, $0x1;
	_ =	strace $0x80000049;
	[dreg:$0x1] =	wrdreg $0xFFFFFFFF  }
0xa4: {  	s25 =	simm.s32 $_size_execute0_lowered;
	s0 =	sadd.s32 s0, s2;
	[dreg:$0x0] =	wrdreg $0x0  }
0xa5: {  	s2 =	sshll.u32 s25, $0x1;
	[dreg:$0x2] =	wrdreg s0  }
0xa6: {  	[dreg:$0x3] =	wrdreg s2  }
0xa7: {  	[dreg:$0x4] =	wrdreg $0xC0  }
0xa8: {  	_ =	task [dreg:s4], $0x5FFFF  }
0xa9: {  	[dreg:$0x1] =	wrdreg $0xFFFFFFFF  }
0xaa: {  	[dreg:$0x0] =	wrdreg $0x60  }
0xab: {  	[dreg:$0x2] =	wrdreg s22  }
0xac: {  	[dreg:$0x3] =	wrdreg $0x9  }
0xad: {  	_ =	task.clear_ibuf [dreg:s4], $0x4FFFF;
	_ =	strace $0x90000049  }
0xae: {  	s26 =	simm.s32 $0x9;
	_ =	strace $0x8000004B  }
0xaf: {  	_ =	swait.ge [sflag:s26], $0x1  }
0xb0: {  	[sflag:s26] =	ssyncadd.s32 $0xFFFFFFFF  }
0xb1: {  	_ =	strace $0x9000004B  }
0xb2: {  	_ =	sfence  }
0xb3: {  	s28 =	sld [smem:$0x0];
	_ =	sdelay $0x1  }
0xb4: {  	s29 =	srdreg.scid  }
0xb5: {  	s30 =	sshll.u32 s29, $0xD;
	s31 =	sshrl.u32 s29, $0x2  }
0xb6: {  	s1 =	sand.u32 $0x1, s29;
	s2 =	sand.u32 $0x4000, s30;
	s0 =	sadd.s32 s31, s28  }
0xb7: {  	s1 =	sor.u32 s2, s1;
	s0 =	sshll.u32 s0, $0x11  }
0xb8: {  	s0 =	sor.u32 s0, s1  }
0xb9: {  	s0 =	sadd.s32 $0x8F2B, s0  }
0xba: {  	[sflag:s0] =	ssyncadd.remote.s32 $0x1  }
0xbb: {  	_ =	sfence.sel $0xFFFF  }
0xbc: {  	[dreg:$0x0] =	wrdreg $0xFFFFFFFF;
	(pc) =	sbr.abs _section_cstart, $3  }
0xbd: {  	[dreg:$0x1] =	wrdreg $0xFFFFFFFF  }
0xbe: {  	_ =	task.clear_ibuf [dreg:s4], $0x2FFFF;
	_ =	strace $0x9FFFFFFF  }
0xbf: {  	(tm) =	ssettm $0x7FFFFFFF  }
tec
execute0_lowered:
.L_overlay_start_1:
0x0: {  	(tag) =	ssettag $0x1  }
0x1: {  	s0 =	stileid.u32;
	s3 =	simm.s32 $0x200;
	s10 =	simm.s32 $0x1  }
0x2: {  	s6 =	simm.s32 $0x2;
	s1 =	smin.u32 s0, $0x8;
	p0 =	slt.u32 s0, $0x8  }
0x3: {  	s11 =	simm.s32 $0x4;
	s2 =	sshll.u32 s1, $0x9;
	s3 =	simm.s32 @!p0 $0x0  }
0x4: {  	s12 =	simm.s32 $0xFFFFF800;
	s13 =	simm.s32 $0xFFFFFE00;
	s1 =	sadd.s32 s3, s2  }
0x5: {  	s14 =	simm.s32 $0xFFFFFFFF;
	s18 =	simm.s32 $0x0;
	s4 =	smin.u32 s1, $0xFA0  }
0x6: {  	s15 =	simm.s32 $0x0;
	s17 =	simm.s32 $0x0;
	s9 =	ssub.s32 s4, s2  }
0x7: {  	s3 =	rddreg [dreg:$0x0];
	s16 =	smov.u32 s2;
	p0 =	sgt.s32 s9, $0x0  }
0x8: {  	s1 =	rddreg [dreg:$0x1];
	_ =	strace $0x8000004A;
	s9 =	simm.s32 @!p0 $0x0  }
.Ltmp0:
0x9: {  	[sflag:s10] =	ssyncpa.u1 $0x0;
	s8 =	sand.u32 $0x1A0, s9;
	(pc) =	sbr.rel .LBB2_1-.Ltmp0, $4  }
0xa: {  	s5 =	sadd.s32 $0x200, s3;
	[sflag:s6] =	ssyncpa.u1 $0x0;
	p0 =	sne.s32 s8, $0x0  }
0xb: {  	s9 =	sshrl.u32 s9, $0x9;
	s8 =	simm.s32 $0x3;
	s10 =	simm.s32 @!p0 $0x0  }
0xc: {  	s7 =	sadd.s32 $0xFE00, s3;
	[sflag:s8] =	ssyncpa.u1 $0x0;
	s9 =	sadd.s32 s10, s9  }
0xd: {  	v0 =	vlaneseq.u32;
	vm0 =	vmmov $0xffff;
	[sflag:s11] =	ssyncpa.u1 $0x0;
	s11 =	simm.s32 $0x0;
	s10 =	sadd.s32 $0x2, s9  }
.LBB2_7:
0xe: {  	p0 =	slt.u32 s17, $0x3  }
0xf: {  	s18 =	simm.s32 @!p0 $0x4  }
0x10: {  	_ =	swait.ge @!p0 [sflag:s18], $0x80  }
0x11: {  	s19 =	sadd.s32 $0x200, s16;
	[sflag:s18] =	ssyncset.done @!p0 $0x0  }
0x12: {  	s20 =	smov.u32 s2;
	[sflag:s18] =	ssyncadd.s32 @!p0 $0xFFFFFF80;
	p0 =	slt.s32 s19, s4  }
0x13: {  	s20 =	smov.u32 @p0 s19;
	p0 =	sne.s32 s17, s10  }
.Ltmp1:
0x14: {  	_ = 	snop;
	(pc) =	sbr.rel @!p0 .LBB2_8-.Ltmp1, $4  }
0x15: {  	_ = 	snop  }
0x16: {  	s31 =	sadd.s32 $0x1, s17;
	s12 =	sadd.s32 $0x800, s12  }
0x17: {  	s13 =	sadd.s32 $0x200, s13;
	s14 =	sadd.s32 $0x1, s14;
	s18 =	smov.u32 s15  }
0x18: {  	s15 =	smov.u32 s16;
	s17 =	smov.u32 s31;
	s16 =	smov.u32 s20  }
.LBB2_1:
0x19: {  	p0 =	sge.u32 s17, s9  }
0x1a: {  	s19 =	smulhi.u32 @!p0 $0xAAAAAAAB, s17;
	_ =	sdelay $0x1  }
0x1b: {  	s19 =	sshrl.u32 @!p0 s19, $0x1  }
0x1c: {  	s19 =	smul.u32 @!p0 $0x3, s19;
	_ =	sdelay $0x1  }
0x1d: {  	s31 =	sadd.s32 $0xFFFFFFFF, s17;
	s20 =	sshrl.u32 @!p0 s16, $0x3;
	s19 =	ssub.s32 @!p0 s17, s19  }
0x1e: {  	s21 =	sand.u32 @!p0 $0x7, s16;
	s20 =	sadd.s32 @!p0 s5, s20;
	s19 =	sshll.u32 @!p0 s19, $0x9  }
0x1f: {  	[tilespmem:s19], [sflag:$0x2] =	stream.linear.gather @!p0 [hbm4b:s20+s21], $0x200, $0x38;
	[tilespmem:$0xB00] =	vst v63  }
0x20: {  	p0 =	sge.u32 s31, s9  }
.Ltmp2:
0x21: {  	_ = 	snop;
	(pc) =	sbr.rel @p0 .LBB2_5-.Ltmp2, $1  }
0x22: {  	_ =	sdelay $0x3  }
0x23: {  	s19 =	smulhi.u32 $0xAAAAAAAB, s14;
	_ =	sdelay $0x1  }
0x24: {  	s19 =	sshrl.u32 s19, $0x1  }
0x25: {  	s19 =	smul.u32 $0xFFFFE800, s19;
	_ =	sdelay $0x1  }
0x26: {  	_ =	swait.ge [sflag:s6], $0x200;
	s19 =	sshra.s32 s19, $0x2  }
0x27: {  	[sflag:s6] =	ssyncset.done $0x0;
	s21 =	sadd.s32 s19, s13  }
0x28: {  	[sflag:s6] =	ssyncadd.s32 $0xFFFFFE00;
	(ifvalue) =	ssetifvalue $0x7FFFFFFF;
	v1 =	vld.msk [tilespmem:s21+$0x0 ss:$0x1], $0xffff;
	_ =	sdelay $0x2  }
0x29: {  	s20 =	ssub.s32 $0xFA0, s15  }
0x2a: {  	p0 =	slt.s32 s20, $0x200  }
0x2b: {  	s20 =	simm.s32 @!p0 $0x200;
	vm1 =	veq.s32 v1, $0x80000000;
	v2 =	vand.u32 $0x3, v1;
	v1 =	vand.u32 $0xFFC, v1  }
0x2c: {  	p0 =	sgt.s32 s20, $0x0;
	s22 =	smov.u32 s20;
	s19 =	sadd.s32 $0x10, s21;
	v2 =	vsel vm1, $0xFFFFFFFF, v2;
	v1 =	vsel vm1, $0xFFFFFFFC, v1  }
0x2d: {  	s22 =	simm.s32 @!p0 $0x0;
	v3 =	vld.msk [tilespmem:s19+$0x0 ss:$0x1], $0xffff;
	v4 =	vand.u32 $0xFFFFF000, v2;
	v5 =	vand.u32 $0xFFFFFE00, v1  }
0x2e: {  	s22 =	smin.u32 s22, $0x10;
	v1 =	vand.u32 $0x1FC, v1;
	v4 =	vadd.s32 v5, v4  }
0x2f: {  	v5 =	vmov s22;
	v1 =	vor.u32 v1, v4  }
0x30: {  	vm1 =	vgt.u32 v5, v0;
	v1 =	vshrl.u32 v1, $0x2  }
0x31: {  	v4 =	vnsel vm1, $0x7FFFFFFF, v1  }
0x32: {  	s31 =	sadd.s32 $0xFFFFFFF0, s20;
	vm1 =	veq.s32 v3, $0x80000000;
	v1 =	vand.u32 $0x3, v3;
	v3 =	vand.u32 $0xFFC, v3  }
0x33: {  	p0 =	sgt.s32 s31, $0x0;
	s23 =	smov.u32 s31;
	s20 =	sadd.s32 $0x10, s19;
	v1 =	vsel vm1, $0xFFFFFFFF, v1;
	v3 =	vsel vm1, $0xFFFFFFFC, v3  }
0x34: {  	s23 =	simm.s32 @!p0 $0x0;
	v5 =	vld.msk [tilespmem:s20+$0x0 ss:$0x1], $0xffff;
	v6 =	vand.u32 $0xFFFFF000, v1;
	v7 =	vand.u32 $0xFFFFFE00, v3  }
0x35: {  	s24 =	sshrl.u32 s12, $0x2;
	s23 =	smin.u32 s23, $0x10;
	v2 =	vand.u32 $0x3, v2;
	v3 =	vand.u32 $0x1FC, v3;
	v6 =	vadd.s32 v7, v6  }
0x36: {  	s24 =	sand.u32 $0x200, s24;
	[tilespmem:s21+$0x0] =	vst v2;
	v2 =	vmov s23;
	v3 =	vor.u32 v3, v6  }
0x37: {  	s21 =	sadd.s32 $0x600, s24;
	s23 =	simm.s32 $0x20;
	vm1 =	vgt.u32 v2, v0;
	v2 =	vshrl.u32 v3, $0x2  }
0x38: {  	s24 =	sadd.s32 $0x10, s20;
	s22 =	sadd.s32 $0xFFFFFFF0, s31;
	(ifvalue) =	ssetifvalue $0x7FFFFFFF;
	v2 =	vnsel vm1, $0x7FFFFFFF, v2  }
0x39: {  	[tilespmem:s21], [sflag:$0x3] =	stream.indirect_vreg.gather [hbm4b:s3+s11], $0x1, v4, vm0, $0x4038;
	v3 =	vand.u32 $0x3, v5;
	v4 =	vand.u32 $0xFFC, v5;
	vm1 =	veq.s32 v5, $0x80000000;
	[tilespmem:$0xB00] =	vst v63  }
.LBB2_3:
0x3a: {  	v5 =	vld.msk [tilespmem:s24+$0x0 ss:$0x1], $0xffff;
	s23 =	sadd.s32 $0x10, s23;
	p1 =	sgt.s32 s22, $0x0;
	v3 =	vsel vm1, $0xFFFFFFFF, v3;
	v4 =	vsel vm1, $0xFFFFFFFC, v4;
	s25 =	smov.u32 s22  }
0x3b: {  	v8 =	vand.u32 $0x3, v1;
	s21 =	sadd.s32 $0x10, s21;
	p0 =	slt.u32 s23, $0x1F0;
	s25 =	simm.s32 @!p1 $0x0;
	v6 =	vand.u32 $0xFFFFF000, v3;
	v7 =	vand.u32 $0xFFFFFE00, v4;
	v1 =	vmovc v3  }
.Ltmp3:
0x3c: {  	v4 =	vand.u32 $0x1FC, v4;
	s25 =	smin.u32 s25, $0x10;
	v3 =	vadd.s32 v7, v6;
	[tilespmem:s19+$0x0] =	vst v8;
	(ifvalue) =	ssetifvalue $0x7FFFFFFF;
	(pc) =	sbr.rel @p0 .LBB2_3-.Ltmp3, $4  }
0x3d: {  	v6 =	vmov s25;
	v3 =	vor.u32 v4, v3;
	[tilespmem:s21], [sflag:$0x3] =	stream.indirect_vreg.gather [hbm4b:s3+s11], $0x1, v2, vm0, $0x4038;
	[tilespmem:$0xB00] =	vst v63  }
0x3e: {  	s19 =	smov.u32 s20;
	s20 =	smov.u32 s24;
	vm1 =	vgt.u32 v6, v0;
	v2 =	vshrl.u32 v3, $0x2  }
0x3f: {  	v2 =	vnsel vm1, $0x7FFFFFFF, v2  }
0x40: {  	s22 =	sadd.s32 $0xFFFFFFF0, s22;
	s24 =	sadd.s32 $0x10, s24;
	vm1 =	veq.s32 v5, $0x80000000;
	v3 =	vand.u32 $0x3, v5;
	v4 =	vand.u32 $0xFFC, v5  }
0x41: {  	p0 =	sgt.s32 s22, $0x0;
	v3 =	vsel vm1, $0xFFFFFFFF, v3;
	v4 =	vsel vm1, $0xFFFFFFFC, v4  }
0x42: {  	s22 =	simm.s32 @!p0 $0x0;
	v5 =	vand.u32 $0xFFFFF000, v3;
	v6 =	vand.u32 $0xFFFFFE00, v4  }
0x43: {  	v4 =	vand.u32 $0x1FC, v4;
	s22 =	smin.u32 s22, $0x10;
	v5 =	vadd.s32 v6, v5  }
0x44: {  	v63 =	vmov s22;
	v4 =	vor.u32 v4, v5  }
0x45: {  	vm1 =	vgt.u32 v63, v0;
	v4 =	vshrl.u32 v4, $0x2  }
0x46: {  	v4 =	vnsel vm1, $0x7FFFFFFF, v4  }
0x47: {  	v1 =	vand.u32 $0x3, v1  }
0x48: {  	s31 =	sadd.s32 $0x10, s21;
	[tilespmem:s19+$0x0] =	vst v1;
	(ifvalue) =	ssetifvalue $0x7FFFFFFF  }
0x49: {  	v1 =	vand.u32 $0x3, v3;
	[tilespmem:s31], [sflag:$0x3] =	stream.indirect_vreg.gather [hbm4b:s3+s11], $0x1, v2, vm0, $0x4038;
	[tilespmem:$0xB00] =	vst v63  }
0x4a: {  	s19 =	sadd.s32 $0x10, s31;
	[tilespmem:s20+$0x0] =	vst v1;
	(ifvalue) =	ssetifvalue $0x7FFFFFFF  }
0x4b: {  	[tilespmem:s19], [sflag:$0x3] =	stream.indirect_vreg.gather [hbm4b:s3+s11], $0x1, v4, vm0, $0x4038;
	[tilespmem:$0xB00] =	vst v63  }
.LBB2_5:
0x4c: {  	p0 =	slt.u32 s17, $0x2  }
0x4d: {  	p1 =	sge.u32 @!p0 s17, s10  }
0x4e: {  	p0 =	por p0, p1  }
.Ltmp4:
0x4f: {  	_ = 	snop;
	(pc) =	sbr.rel @p0 .LBB2_7-.Ltmp4, $1  }
0x50: {  	_ =	sdelay $0x3  }
0x51: {  	s19 =	sadd.s32 $0xFFFFFFFE, s17  }
0x52: {  	s20 =	smulhi.u32 $0xAAAAAAAB, s19  }
0x53: {  	_ =	swait.ge [sflag:s8], $0x200  }
0x54: {  	s21 =	sand.u32 $0x1, s17;
	[sflag:s8] =	ssyncset.done $0x0;
	s20 =	sshrl.u32 s20, $0x1  }
0x55: {  	s28 =	sshll.u32 s21, $0x9;
	[sflag:s8] =	ssyncadd.s32 $0xFFFFFE00;
	s20 =	smul.u32 $0x3, s20  }
0x56: {  	v1 =	vld [tilespmem:s28+$0x600]  }
0x57: {  	v3 =	vld [tilespmem:s28+$0x680];
	s20 =	ssub.s32 s19, s20  }
0x58: {  	v6 =	vld [tilespmem:s28+$0x700];
	s20 =	sshll.u32 s20, $0x9  }
0x59: {  	v2 =	vld [tilespmem:s20+$0x0]  }
0x5a: {  	v4 =	vld [tilespmem:s20+$0x80]  }
0x5b: {  	v5 =	vld [tilespmem:s20+$0x100]  }
0x5c: {  	v7 =	vld [tilespmem:s20+$0x180];
	_ =	sdelay $0x1  }
0x5d: {  	v8 =	vld [tilespmem:s28+$0x780]  }
0x5e: {  	v2 =	vshll.u32 v2, $0x3;
	v4 =	vshll.u32 v4, $0x3  }
0x5f: {  	v1 =	vshrl.u32 v1, v2;
	v2 =	vshrl.u32 v3, v4;
	v3 =	vshll.u32 v5, $0x3  }
0x60: {  	v21 =	vshll.u32 v7, $0x3;
	v2 =	vshll.u32 v2, $0x8;
	v3 =	vshrl.u32 v6, v3  }
0x61: {  	v1 =	vand.u32 $0xFF, v1;
	v2 =	vand.u32 $0xFF00, v2;
	v3 =	vshll.u32 v3, $0x10  }
0x62: {  	v1 =	vor.u32 v1, v2;
	v2 =	vand.u32 $0xFF0000, v3;
	v3 =	vshrl.u32 v8, v21  }
0x63: {  	v1 =	vor.u32 v2, v1;
	v2 =	vshll.u32 v3, $0x18  }
0x64: {  	s21 =	sshll.u32 s21, $0x7;
	v1 =	vor.u32 v2, v1  }
0x65: {  	[tilespmem:s21+$0xA00] =	vst v1  }
0x66: {  	v1 =	vld [tilespmem:s28+$0x610]  }
0x67: {  	v2 =	vld [tilespmem:s20+$0x10]  }
0x68: {  	v3 =	vld [tilespmem:s28+$0x690]  }
0x69: {  	v22 =	vld [tilespmem:s20+$0x90]  }
0x6a: {  	v23 =	vld [tilespmem:s20+$0x110]  }
0x6b: {  	v24 =	vld [tilespmem:s28+$0x710]  }
0x6c: {  	v25 =	vld [tilespmem:s20+$0x190];
	_ =	sdelay $0x1  }
0x6d: {  	v26 =	vld [tilespmem:s28+$0x790]  }
0x6e: {  	v2 =	vshll.u32 v2, $0x3;
	v4 =	vshll.u32 v22, $0x3  }
0x6f: {  	v1 =	vshrl.u32 v1, v2;
	v2 =	vshrl.u32 v3, v4;
	v3 =	vshll.u32 v23, $0x3  }
0x70: {  	v27 =	vshll.u32 v25, $0x3;
	v2 =	vshll.u32 v2, $0x8;
	v3 =	vshrl.u32 v24, v3  }
0x71: {  	v1 =	vand.u32 $0xFF, v1;
	v2 =	vand.u32 $0xFF00, v2;
	v3 =	vshll.u32 v3, $0x10  }
0x72: {  	v1 =	vor.u32 v1, v2;
	v2 =	vand.u32 $0xFF0000, v3;
	v3 =	vshrl.u32 v26, v27  }
0x73: {  	v1 =	vor.u32 v2, v1;
	v2 =	vshll.u32 v3, $0x18  }
0x74: {  	v1 =	vor.u32 v2, v1  }
0x75: {  	[tilespmem:s21+$0xA10] =	vst v1  }
0x76: {  	v1 =	vld [tilespmem:s28+$0x620]  }
0x77: {  	v2 =	vld [tilespmem:s20+$0x20]  }
0x78: {  	v3 =	vld [tilespmem:s28+$0x6A0]  }
0x79: {  	v28 =	vld [tilespmem:s20+$0xA0]  }
0x7a: {  	v29 =	vld [tilespmem:s20+$0x120]  }
0x7b: {  	v30 =	vld [tilespmem:s28+$0x720]  }
0x7c: {  	v31 =	vld [tilespmem:s20+$0x1A0];
	_ =	sdelay $0x1  }
0x7d: {  	v32 =	vld [tilespmem:s28+$0x7A0]  }
0x7e: {  	v2 =	vshll.u32 v2, $0x3;
	v4 =	vshll.u32 v28, $0x3  }
0x7f: {  	v1 =	vshrl.u32 v1, v2;
	v2 =	vshrl.u32 v3, v4;
	v3 =	vshll.u32 v29, $0x3  }
0x80: {  	v33 =	vshll.u32 v31, $0x3;
	v2 =	vshll.u32 v2, $0x8;
	v3 =	vshrl.u32 v30, v3  }
0x81: {  	v1 =	vand.u32 $0xFF, v1;
	v2 =	vand.u32 $0xFF00, v2;
	v3 =	vshll.u32 v3, $0x10  }
0x82: {  	v1 =	vor.u32 v1, v2;
	v2 =	vand.u32 $0xFF0000, v3;
	v3 =	vshrl.u32 v32, v33  }
0x83: {  	v1 =	vor.u32 v2, v1;
	v2 =	vshll.u32 v3, $0x18  }
0x84: {  	v1 =	vor.u32 v2, v1  }
0x85: {  	[tilespmem:s21+$0xA20] =	vst v1  }
0x86: {  	v1 =	vld [tilespmem:s28+$0x630]  }
0x87: {  	v2 =	vld [tilespmem:s20+$0x30]  }
0x88: {  	v3 =	vld [tilespmem:s28+$0x6B0]  }
0x89: {  	v34 =	vld [tilespmem:s20+$0xB0]  }
0x8a: {  	v35 =	vld [tilespmem:s20+$0x130]  }
0x8b: {  	v36 =	vld [tilespmem:s28+$0x730]  }
0x8c: {  	v37 =	vld [tilespmem:s20+$0x1B0];
	_ =	sdelay $0x1  }
0x8d: {  	v38 =	vld [tilespmem:s28+$0x7B0]  }
0x8e: {  	v2 =	vshll.u32 v2, $0x3;
	v4 =	vshll.u32 v34, $0x3  }
0x8f: {  	v1 =	vshrl.u32 v1, v2;
	v2 =	vshrl.u32 v3, v4;
	v3 =	vshll.u32 v35, $0x3  }
0x90: {  	v39 =	vshll.u32 v37, $0x3;
	v2 =	vshll.u32 v2, $0x8;
	v3 =	vshrl.u32 v36, v3  }
0x91: {  	v1 =	vand.u32 $0xFF, v1;
	v2 =	vand.u32 $0xFF00, v2;
	v3 =	vshll.u32 v3, $0x10  }
0x92: {  	v1 =	vor.u32 v1, v2;
	v2 =	vand.u32 $0xFF0000, v3;
	v3 =	vshrl.u32 v38, v39  }
0x93: {  	v1 =	vor.u32 v2, v1;
	v2 =	vshll.u32 v3, $0x18  }
0x94: {  	v1 =	vor.u32 v2, v1  }
0x95: {  	[tilespmem:s21+$0xA30] =	vst v1  }
0x96: {  	v1 =	vld [tilespmem:s28+$0x640]  }
0x97: {  	v2 =	vld [tilespmem:s20+$0x40]  }
0x98: {  	v3 =	vld [tilespmem:s28+$0x6C0]  }
0x99: {  	v40 =	vld [tilespmem:s20+$0xC0]  }
0x9a: {  	v41 =	vld [tilespmem:s20+$0x140]  }
0x9b: {  	v42 =	vld [tilespmem:s28+$0x740]  }
0x9c: {  	v43 =	vld [tilespmem:s20+$0x1C0];
	_ =	sdelay $0x1  }
0x9d: {  	v44 =	vld [tilespmem:s28+$0x7C0]  }
0x9e: {  	v2 =	vshll.u32 v2, $0x3;
	v4 =	vshll.u32 v40, $0x3  }
0x9f: {  	v1 =	vshrl.u32 v1, v2;
	v2 =	vshrl.u32 v3, v4;
	v3 =	vshll.u32 v41, $0x3  }
0xa0: {  	v45 =	vshll.u32 v43, $0x3;
	v2 =	vshll.u32 v2, $0x8;
	v3 =	vshrl.u32 v42, v3  }
0xa1: {  	v1 =	vand.u32 $0xFF, v1;
	v2 =	vand.u32 $0xFF00, v2;
	v3 =	vshll.u32 v3, $0x10  }
0xa2: {  	v1 =	vor.u32 v1, v2;
	v2 =	vand.u32 $0xFF0000, v3;
	v3 =	vshrl.u32 v44, v45  }
0xa3: {  	v1 =	vor.u32 v2, v1;
	v2 =	vshll.u32 v3, $0x18  }
0xa4: {  	v1 =	vor.u32 v2, v1  }
0xa5: {  	[tilespmem:s21+$0xA40] =	vst v1  }
0xa6: {  	v1 =	vld [tilespmem:s28+$0x650]  }
0xa7: {  	v2 =	vld [tilespmem:s20+$0x50]  }
0xa8: {  	v3 =	vld [tilespmem:s28+$0x6D0]  }
0xa9: {  	v46 =	vld [tilespmem:s20+$0xD0]  }
0xaa: {  	v47 =	vld [tilespmem:s20+$0x150]  }
0xab: {  	v48 =	vld [tilespmem:s28+$0x750]  }
0xac: {  	v49 =	vld [tilespmem:s20+$0x1D0];
	_ =	sdelay $0x1  }
0xad: {  	v50 =	vld [tilespmem:s28+$0x7D0]  }
0xae: {  	v2 =	vshll.u32 v2, $0x3;
	v4 =	vshll.u32 v46, $0x3  }
0xaf: {  	v1 =	vshrl.u32 v1, v2;
	v2 =	vshrl.u32 v3, v4;
	v3 =	vshll.u32 v47, $0x3  }
0xb0: {  	v51 =	vshll.u32 v49, $0x3;
	v2 =	vshll.u32 v2, $0x8;
	v3 =	vshrl.u32 v48, v3  }
0xb1: {  	v1 =	vand.u32 $0xFF, v1;
	v2 =	vand.u32 $0xFF00, v2;
	v3 =	vshll.u32 v3, $0x10  }
0xb2: {  	v1 =	vor.u32 v1, v2;
	v2 =	vand.u32 $0xFF0000, v3;
	v3 =	vshrl.u32 v50, v51  }
0xb3: {  	v1 =	vor.u32 v2, v1;
	v2 =	vshll.u32 v3, $0x18  }
0xb4: {  	v1 =	vor.u32 v2, v1  }
0xb5: {  	[tilespmem:s21+$0xA50] =	vst v1  }
0xb6: {  	v1 =	vld [tilespmem:s28+$0x660]  }
0xb7: {  	v2 =	vld [tilespmem:s20+$0x60]  }
0xb8: {  	v3 =	vld [tilespmem:s28+$0x6E0]  }
0xb9: {  	v52 =	vld [tilespmem:s20+$0xE0]  }
0xba: {  	v53 =	vld [tilespmem:s20+$0x160]  }
0xbb: {  	v54 =	vld [tilespmem:s28+$0x760]  }
0xbc: {  	v55 =	vld [tilespmem:s20+$0x1E0];
	_ =	sdelay $0x1  }
0xbd: {  	v56 =	vld [tilespmem:s28+$0x7E0]  }
0xbe: {  	v2 =	vshll.u32 v2, $0x3;
	v4 =	vshll.u32 v52, $0x3  }
0xbf: {  	v1 =	vshrl.u32 v1, v2;
	v2 =	vshrl.u32 v3, v4;
	v3 =	vshll.u32 v53, $0x3  }
0xc0: {  	v57 =	vshll.u32 v55, $0x3;
	v2 =	vshll.u32 v2, $0x8;
	v3 =	vshrl.u32 v54, v3  }
0xc1: {  	v1 =	vand.u32 $0xFF, v1;
	v2 =	vand.u32 $0xFF00, v2;
	v3 =	vshll.u32 v3, $0x10  }
0xc2: {  	v1 =	vor.u32 v1, v2;
	v2 =	vand.u32 $0xFF0000, v3;
	v3 =	vshrl.u32 v56, v57  }
0xc3: {  	v1 =	vor.u32 v2, v1;
	v2 =	vshll.u32 v3, $0x18  }
0xc4: {  	v1 =	vor.u32 v2, v1  }
0xc5: {  	[tilespmem:s21+$0xA60] =	vst v1  }
0xc6: {  	v1 =	vld [tilespmem:s28+$0x670]  }
0xc7: {  	v2 =	vld [tilespmem:s20+$0x70]  }
0xc8: {  	v3 =	vld [tilespmem:s28+$0x6F0]  }
0xc9: {  	v58 =	vld [tilespmem:s20+$0xF0]  }
0xca: {  	v59 =	vld [tilespmem:s20+$0x170]  }
0xcb: {  	v60 =	vld [tilespmem:s28+$0x770]  }
0xcc: {  	v61 =	vld [tilespmem:s20+$0x1F0];
	_ =	sdelay $0x1  }
0xcd: {  	v62 =	vld [tilespmem:s28+$0x7F0]  }
0xce: {  	v2 =	vshll.u32 v2, $0x3;
	v4 =	vshll.u32 v58, $0x3  }
0xcf: {  	v1 =	vshrl.u32 v1, v2;
	v2 =	vshrl.u32 v3, v4;
	v3 =	vshll.u32 v59, $0x3  }
0xd0: {  	v63 =	vshll.u32 v61, $0x3;
	v3 =	vshrl.u32 v60, v3;
	v2 =	vshll.u32 v2, $0x8  }
0xd1: {  	v1 =	vand.u32 $0xFF, v1;
	v2 =	vand.u32 $0xFF00, v2;
	v3 =	vshll.u32 v3, $0x10  }
.Ltmp5:
0xd2: {  	v1 =	vor.u32 v1, v2;
	v2 =	vshrl.u32 v62, v63;
	v3 =	vand.u32 $0xFF0000, v3;
	(pc) =	sbr.rel .LBB2_7-.Ltmp5, $4  }
0xd3: {  	v1 =	vor.u32 v3, v1;
	v2 =	vshll.u32 v2, $0x18  }
0xd4: {  	s29 =	sshrl.u32 s18, $0x2;
	s30 =	sshrl.u32 s18, $0x5;
	v1 =	vor.u32 v2, v1  }
0xd5: {  	s18 =	sadd.s32 s30, s7;
	s31 =	sor.u32 $0xA00, s21;
	s19 =	sand.u32 $0x7, s29;
	[tilespmem:s21+$0xA70] =	vst v1  }
0xd6: {  	[hbm4b:s18+s19] =	stream.linear.scatter [tilespmem:s31], [sflag:$0x4], $0x80, $0x38;
	[tilespmem:$0xB00] =	vst v63  }
.LBB2_8:
0xd7: {  	_ =	sfence.sel $0x180000  }
0xd8: {  	s2 =	simm.s32 $0x2;
	[bflag:$0x0] =	sbarrier.arrive $0xFFFF  }
0xd9: {  	s29 =	simm.s32 $0x3;
	[sflag:s2] =	ssyncpa.u1 $0x1  }
0xda: {  	s30 =	simm.s32 $0x4;
	[sflag:s29] =	ssyncpa.u1 $0x1  }
0xdb: {  	s31 =	simm.s32 $0x1;
	[sflag:s30] =	ssyncpa.u1 $0x1  }
0xdc: {  	[sflag:s31] =	ssyncpa.u1 $0x1  }
0xdd: {  	p0 =	sne.s32 s0, $0x0;
	_ =	strace $0x9000004A  }
0xde: {  	s0 =	sadd.s32 @!p0 $0x100000, s1;
	[bflag:$0x2] =	sbarrier.arrive $0xFFFF  }
0xdf: {  	[sflag:s0] =	ssyncadd.tile.s32 @!p0 $0x1;
	_ =	shalt  }
.Lfunc_end2:
_tile_overlayer_lowered:
.L_overlay_start_2:
0xe0: {  	(tag) =	ssettag $0x2  }
0xe1: {  	s0 =	rddreg [dreg:$0x0];
	s2 =	stileid.u32  }
0xe2: {  	s1 =	rddreg [dreg:$0x1];
	p0 =	sne.s32 s2, $0x0  }
0xe3: {  	s3 =	rddreg [dreg:$0x2];
	[bflag:$0x3] =	sbarrier.arrive $0xFFFF;
	s2 =	simm.s32 @!p0 $0x1C01  }
0xe4: {  	[timem:s3], [sflag:s2] =	dma.local @!p0 [hbm:s0], s1  }
0xe5: {  	s0 =	simm.s32 @!p0 $0x1  }
0xe6: {  	_ =	swait.ge @!p0 [sflag:s0], s1  }
0xe7: {  	s1 =	ssub.s32 @!p0 $0x0, s1;
	[sflag:s0] =	ssyncset.done @!p0 $0x0  }
0xe8: {  	[sflag:s0] =	ssyncadd.s32 @!p0 s1  }
0xe9: {  	[bflag:$0x3] =	sbarrier.arrive $0xFFFF  }
0xea: {  	_ =	shalt  }

// kernel: gather_offload_async_start.3
scs
__scs_entry_jumppad:
0x0: {  	(pc) =	sbr.rel $0x88, $3  }
0x1: {  	(tag) =	ssettag $0x0;
	lr =	simm.s32 $0x1  }
0x2: {  	[smem:$0x3F9F] =	sst lr;
	_ =	strace $0xD0000000  }
0x3: {  	_ = 	snop  }
0x4: {  	_ = 	snop  }
0x5: {  	_ = 	snop  }
0x6: {  	_ = 	snop  }
0x7: {  	_ = 	snop  }
__scs_overlays_trampoline_lowered:
0x8: {  	[smem:$0x3FAE] =	sst s0  }
0x9: {  	[smem:$0x3FAF] =	sst s1  }
0xa: {  	[smem:$0x3FB0] =	sst s2  }
0xb: {  	[smem:$0x3FB1] =	sst s3  }
0xc: {  	[smem:$0x3FB2] =	sst s4  }
0xd: {  	[smem:$0x3FB3] =	sst s5  }
0xe: {  	[smem:$0x3FB4] =	sst s6  }
0xf: {  	[smem:$0x3FB5] =	sst s7  }
0x10: {  	[smem:$0x3FB6] =	sst s8  }
0x11: {  	[smem:$0x3FB7] =	sst s9;
	s0 =	simm.s32 @!p0 $0x0  }
0x12: {  	s1 =	sld [smem:$0x3F9D];
	s0 =	simm.s32 @p0 $0x1  }
0x13: {  	[smem:$0x3FB8] =	sst s0;
	s0 =	simm.s32 @!p1 $0x0  }
0x14: {  	s2 =	sld [smem:$0x3F9C];
	s0 =	simm.s32 @p1 $0x1  }
0x15: {  	[smem:$0x3FB9] =	sst s0;
	s0 =	simm.s32 @!p2 $0x0  }
0x16: {  	s3 =	sld [smem:$0x3FDB];
	s0 =	simm.s32 @p2 $0x1  }
0x17: {  	s4 =	simm.s32 $0x1BF5;
	[smem:$0x3FBB] =	sst s0  }
0x18: {  	s0 =	sld [smem:$0x3F9E];
	_ =	swait.ge [sflag:s4], $0x0  }
0x19: {  	s7 =	sld [smem:$0x3F9F]  }
0x1a: {  	s8 =	sadd.s32 $0xFFFFE003, lr  }
0x1b: {  	s9 =	sadd.s32 $0xFFFFFEF7, lr;
	s5 =	simm.s32 $0xFFFFFFFF;
	p2 =	slt.u32 s8, $0xFFFFF086  }
0x1c: {  	p1 =	slt.u32 s9, $0xF7A;
	s5 =	simm.s32 @!p2 $0x0  }
0x1d: {  	s5 =	simm.s32 @p1 $0x1;
	p0 =	seq.s32 s7, s2  }
0x1e: {  	s7 =	smul.u32 @!p0 $0xF7A, s2;
	p2 =	seq.s32 @!p0 s5, $0x0  }
0x1f: {  	s9 =	smul.u32 $0xF7A, s1;
	s8 =	simm.s32 @!p0 $0x1BF5;
	p2 =	por !p2, p0  }
0x20: {  	[sflag:s8] =	ssyncset.s32 @!p0 $0xFFFFF086;
	s6 =	sadd.s32 @!p0 s3, s7;
	s7 =	simm.s32 @!p0 $0x108  }
0x21: {  	s3 =	sadd.s32 s3, s9;
	s6 =	sadd.s32 @!p0 $0x88, s6;
	s7 =	simm.s32 @p2 $0x1082  }
0x22: {  	[simem:s7], [sflag:s8] =	dma.local @!p0 [hbm:s6], $0xF7A  }
0x23: {  	s9 =	sor.u32 $0xD0000000, s2;
	s6 =	simm.s32 $0x108;
	_ =	swait.ge @!p0 [sflag:s8], $0x0  }
0x24: {  	s3 =	sadd.s32 $0x88, s3;
	s6 =	simm.s32 @!p1 $0x1082;
	[sflag:s4] =	ssyncset.s32 $0xFFFFF086  }
0x25: {  	[simem:s6], [sflag:s4] =	dma.local [hbm:s3], $0xF7A  }
0x26: {  	[smem:$0x3F9F] =	sst s1;
	(tag) =	ssettag s2;
	_ =	strace s9  }
0x27: {  	s1 =	sld [smem:$0x3FAF]  }
0x28: {  	s2 =	sld [smem:$0x3FB0]  }
0x29: {  	s4 =	sld [smem:$0x3FB2]  }
0x2a: {  	p0 =	seq.s32 s5, $0x0;
	s5 =	sld [smem:$0x3FB3]  }
0x2b: {  	s6 =	sld [smem:$0x3FB4]  }
0x2c: {  	s7 =	sld [smem:$0x3FB5]  }
0x2d: {  	s3 =	simm.s32 $0x108;
	s8 =	sld [smem:$0x3FB6]  }
0x2e: {  	s3 =	simm.s32 @!p0 $0x1082;
	s9 =	sld [smem:$0x3FB7]  }
0x2f: {  	lr =	sadd.s32 s0, s3;
	s0 =	sld [smem:$0x3FAE]  }
0x30: {  	s3 =	sld [smem:$0x3FB1]  }
0x31: {  	[smem:$0x3FBA] =	sst s10  }
0x32: {  	s10 =	sld [smem:$0x3FB8];
	_ =	sdelay $0x3  }
0x33: {  	p0 =	seq.s32 s10, $0x1;
	s10 =	sld [smem:$0x3FBA];
	_ =	sdelay $0x3  }
0x34: {  	[smem:$0x3FBA] =	sst s10  }
0x35: {  	s10 =	sld [smem:$0x3FB9];
	_ =	sdelay $0x3  }
0x36: {  	p1 =	seq.s32 s10, $0x1;
	s10 =	sld [smem:$0x3FBA];
	_ =	sdelay $0x3  }
0x37: {  	[smem:$0x3FBA] =	sst s10  }
0x38: {  	s10 =	sld [smem:$0x3FBB]  }
0x39: {  	_ = 	snop;
	(pc) =	sbr.ind lr, $3  }
0x3a: {  	_ = 	snop  }
0x3b: {  	_ = 	snop  }
0x3c: {  	p2 =	seq.s32 s10, $0x1;
	s10 =	sld [smem:$0x3FBA]  }
0x3d: {  	_ =	shalt  }
0x3e: {  	_ =	shalt  }
0x3f: {  	_ =	shalt  }
0x40: {  	_ =	shalt  }
0x41: {  	_ =	shalt  }
0x42: {  	_ =	shalt  }
0x43: {  	_ =	shalt  }
0x44: {  	_ =	shalt  }
0x45: {  	_ =	shalt  }
0x46: {  	_ =	shalt  }
0x47: {  	_ =	shalt  }
0x48: {  	_ =	shalt  }
0x49: {  	_ =	shalt  }
0x4a: {  	_ =	shalt  }
0x4b: {  	_ =	shalt  }
0x4c: {  	_ =	shalt  }
0x4d: {  	_ =	shalt  }
0x4e: {  	_ =	shalt  }
0x4f: {  	_ =	shalt  }
0x50: {  	_ =	shalt  }
0x51: {  	_ =	shalt  }
0x52: {  	_ =	shalt  }
0x53: {  	_ =	shalt  }
0x54: {  	_ =	shalt  }
0x55: {  	_ =	shalt  }
0x56: {  	_ =	shalt  }
0x57: {  	_ =	shalt  }
0x58: {  	_ =	shalt  }
0x59: {  	_ =	shalt  }
0x5a: {  	_ =	shalt  }
0x5b: {  	_ =	shalt  }
0x5c: {  	_ =	shalt  }
0x5d: {  	_ =	shalt  }
0x5e: {  	_ =	shalt  }
0x5f: {  	_ =	shalt  }
0x60: {  	_ =	shalt  }
0x61: {  	_ =	shalt  }
0x62: {  	_ =	shalt  }
0x63: {  	_ =	shalt  }
0x64: {  	_ =	shalt  }
0x65: {  	_ =	shalt  }
0x66: {  	_ =	shalt  }
0x67: {  	_ =	shalt  }
0x68: {  	_ =	shalt  }
0x69: {  	_ =	shalt  }
0x6a: {  	_ =	shalt  }
0x6b: {  	_ =	shalt  }
0x6c: {  	_ =	shalt  }
0x6d: {  	_ =	shalt  }
0x6e: {  	_ =	shalt  }
0x6f: {  	_ =	shalt  }
0x70: {  	_ =	shalt  }
0x71: {  	_ =	shalt  }
0x72: {  	_ =	shalt  }
0x73: {  	_ =	shalt  }
0x74: {  	_ =	shalt  }
0x75: {  	_ =	shalt  }
0x76: {  	_ =	shalt  }
0x77: {  	_ =	shalt  }
0x78: {  	_ =	shalt  }
0x79: {  	_ =	shalt  }
0x7a: {  	_ =	shalt  }
0x7b: {  	_ =	shalt  }
0x7c: {  	_ =	shalt  }
0x7d: {  	_ =	shalt  }
0x7e: {  	_ =	shalt  }
0x7f: {  	_ =	shalt  }
0x80: {  	_ =	shalt  }
0x81: {  	_ =	shalt  }
0x82: {  	_ =	shalt  }
0x83: {  	_ =	shalt  }
0x84: {  	_ =	shalt  }
0x85: {  	_ =	shalt  }
0x86: {  	_ =	shalt  }
0x87: {  	_ =	shalt  }
.Lfunc_end0:
.L_simem_size_0:
called_computation.3_lowered:
.L_overlay_start_0:
0x88: {  	s2 =	sld [smem:$0x3FD9]  }
0x89: {  	s3 =	sld [smem:$0x3FFE];
	_ =	sdelay $0x1  }
0x8a: {  	s1 =	srdreg.scid  }
0x8b: {  	s0 =	sand.u32 $0x1, s1  }
0x8c: {  	s14 =	sshll.u32 s0, $0xA;
	s2 =	sadd.s32 s3, s2  }
0x8d: {  	s2 =	sadd.s32 s2, s14  }
0x8e: {  	[smem:$0x3FC6] =	sst s2  }
0x8f: {  	_ = 	snop  }
0x90: {  	s2 =	sld [smem:$0x3FD0];
	_ =	sdelay $0x2  }
0x91: {  	s15 =	simm.s32 $0xB;
	s4 =	simm.s32 $0x10  }
0x92: {  	[smem:s4], [sflag:s15] =	dma.local [hbm:s2], $0x1  }
0x93: {  	_ =	swait.eq [sflag:s15], $0x1  }
0x94: {  	[sflag:s15] =	ssyncset.done $0x0  }
0x95: {  	[sflag:s15] =	ssyncadd.s32 $0xFFFFFFFF  }
0x96: {  	s16 =	sld [smem:$0x11];
	(tm) =	ssettm $0x1  }
0x97: {  	s17 =	sld [smem:$0x3FFB];
	_ =	sdelay $0x3  }
0x98: {  	_ =	strace s17  }
0x99: {  	s3 =	sld [smem:$0x3FFC];
	_ =	sdelay $0x3  }
0x9a: {  	_ =	strace s3  }
0x9b: {  	s3 =	sld [smem:$0x3FFD];
	_ =	sdelay $0x3  }
0x9c: {  	_ =	strace s3  }
0x9d: {  	_ =	strace $0x8FFFFFFF  }
0x9e: {  	s18 =	sld [smem:$0x3FDB];
	_ =	sdelay $0x1  }
0x9f: {  	s19 =	simm.s32 $_scs_section_size  }
0xa0: {  	s5 =	simm.s32 $_size__tile_overlayer_lowered;
	s6 =	simm.s32 $_tile_overlayer_lowered  }
0xa1: {  	s22 =	simm.s32 $0x1BFF;
	s21 =	sshll.u32 s6, $0x1;
	s3 =	sadd.s32 s19, s18  }
0xa2: {  	s7 =	simm.s32 $0x0;
	s20 =	sshll.u32 s5, $0x1;
	s5 =	sadd.s32 s21, s3  }
0xa3: {  	[timem:s7], [sflag:s22] =	dma.local [hbm:s5], s20  }
0xa4: {  	_ =	swait.ge [sflag:s22], s20  }
0xa5: {  	s4 =	ssub.s32 $0x0, s20;
	[sflag:s22] =	ssyncset.done $0x0  }
0xa6: {  	[sflag:s22] =	ssyncadd.s32 s4;
	_ =	sdelay $0x1  }
0xa7: {  	s23 =	simm.s32 $0x1B8B  }
0xa8: {  	_ =	swait.ge [sflag:s23], $0x1  }
0xa9: {  	[sflag:s23] =	ssyncset.done $0x0  }
0xaa: {  	s25 =	simm.s32 $0x1B8E;
	s24 =	sld [smem:$0x3FFE];
	[sflag:s23] =	ssyncadd.s32 $0xFFFFFFFF  }
0xab: {  	s26 =	simm.s32 $execute0_lowered;
	[smem:$0x3FD2] =	sst s25  }
0xac: {  	s5 =	sshll.u32 s26, $0x1;
	_ =	strace $0x8000004C;
	[dreg:$0x1] =	wrdreg $0xFFFFFFFF  }
0xad: {  	s28 =	simm.s32 $_size_execute0_lowered;
	s3 =	sadd.s32 s3, s5;
	[dreg:$0x0] =	wrdreg $0x0  }
0xae: {  	s5 =	sshll.u32 s28, $0x1;
	[dreg:$0x2] =	wrdreg s3  }
0xaf: {  	[dreg:$0x3] =	wrdreg s5  }
0xb0: {  	[dreg:$0x4] =	wrdreg $0xC0  }
0xb1: {  	_ =	task [dreg:s7], $0x5FFFF  }
0xb2: {  	[dreg:$0x1] =	wrdreg $0xFFFFFFFF  }
0xb3: {  	[dreg:$0x0] =	wrdreg $0x60  }
0xb4: {  	[dreg:$0x2] =	wrdreg s16  }
0xb5: {  	[dreg:$0x3] =	wrdreg s24  }
0xb6: {  	[dreg:$0x4] =	wrdreg $0xA  }
0xb7: {  	_ =	task.clear_ibuf [dreg:s7], $0x5FFFF;
	_ =	strace $0x9000004C  }
0xb8: {  	s29 =	simm.s32 $0xA;
	_ =	strace $0x8000004E  }
0xb9: {  	_ =	swait.ge [sflag:s29], $0x1  }
0xba: {  	[sflag:s29] =	ssyncadd.s32 $0xFFFFFFFF  }
0xbb: {  	_ =	strace $0x9000004E  }
0xbc: {  	_ =	sfence  }
0xbd: {  	s30 =	sld [smem:$0x0];
	_ =	sdelay $0x2  }
0xbe: {  	s31 =	sshll.u32 s1, $0xD;
	s1 =	sshrl.u32 s1, $0x2  }
0xbf: {  	s3 =	sand.u32 $0x4000, s31;
	s1 =	sadd.s32 s1, s30  }
0xc0: {  	s0 =	sor.u32 s3, s0;
	s1 =	sshll.u32 s1, $0x11  }
0xc1: {  	s0 =	sor.u32 s1, s0  }
0xc2: {  	s0 =	sadd.s32 $0x8F2B, s0  }
0xc3: {  	[sflag:s0] =	ssyncadd.remote.s32 $0x1  }
0xc4: {  	_ =	sfence.sel $0xFFFF  }
0xc5: {  	[dreg:$0x0] =	wrdreg $0xFFFFFFFF;
	(pc) =	sbr.abs _section_cstart, $3  }
0xc6: {  	[dreg:$0x1] =	wrdreg $0xFFFFFFFF  }
0xc7: {  	_ =	task.clear_ibuf [dreg:s7], $0x2FFFF;
	_ =	strace $0x9FFFFFFF  }
0xc8: {  	(tm) =	ssettm $0x7FFFFFFF  }
0xc9: {  	_ =	shalt  }
tec
execute0_lowered:
.L_overlay_start_1:
0x0: {  	(tag) =	ssettag $0x1  }
0x1: {  	s2 =	rddreg [dreg:$0x0];
	s0 =	stileid.u32  }
0x2: {  	s1 =	srdreg.scid;
	s8 =	rddreg [dreg:$0x1]  }
0x3: {  	s5 =	simm.s32 $0x1;
	s9 =	simm.s32 $0x1;
	s10 =	simm.s32 $0x3  }
0x4: {  	s13 =	simm.s32 $0x0;
	s3 =	sand.u32 $0x1, s1;
	s4 =	sshll.u32 s0, $0x1  }
0x5: {  	s12 =	simm.s32 $0x0;
	s1 =	rddreg [dreg:$0x2];
	s6 =	sor.u32 s4, s3  }
0x6: {  	_ =	strace $0x8000004D;
	s3 =	sadd.s32 $0x200, s8;
	s4 =	smul.u32 $0x50, s6  }
0x7: {  	[sflag:s5] =	ssyncpa.u1 $0x0;
	p0 =	slt.u32 s6, $0x13;
	s6 =	simm.s32 $0xA00  }
.Ltmp0:
0x8: {  	s6 =	simm.s32 @!p0 $0x0;
	s7 =	ssub.s32 $0xFA0, s4;
	(pc) =	sbr.rel .LBB2_1-.Ltmp0, $4  }
0x9: {  	s9 =	simm.s32 @!p0 $0x0;
	p0 =	sne.s32 s7, s6;
	s7 =	simm.s32 $0x1  }
0xa: {  	s8 =	sadd.s32 $0xFE00, s8;
	s6 =	simm.s32 $0x2;
	s7 =	simm.s32 @!p0 $0x0  }
0xb: {  	s11 =	smov.u32 s4;
	[sflag:s6] =	ssyncpa.u1 $0x0;
	s7 =	sadd.s32 s9, s7  }
0xc: {  	vm0 =	vmmov $0xffff;
	[sflag:s10] =	ssyncpa.u1 $0x0;
	s10 =	simm.s32 $0x0;
	s9 =	sadd.s32 $0x1, s7  }
.LBB2_4:
0xd: {  	v5 =	vld.msk [tilespmem:s18+$0x0 ss:$0x1], $0xffff  }
0xe: {  	v6 =	vand.u32 $0x3, v1;
	v7 =	vshrl.u32 v1, $0x2  }
0xf: {  	v3 =	vor.u32 v4, v3;
	vm1 =	veq.s32 v1, $0x80000000;
	v53 =	vand.u32 $0x3FF, v7  }
0x10: {  	v2 =	vor.u32 v2, v3;
	v54 =	vsel vm1, $0xFFFFFFFF, v6;
	v1 =	vsel vm1, $0xFFFFFFFF, v53  }
0x11: {  	v6 =	vshll.u32 v54, $0x7;
	v3 =	vand.u32 $0xFFFFF000, v54;
	v55 =	vand.u32 $0x7F, v1  }
0x12: {  	v1 =	vshll.u32 v1, $0x2;
	v6 =	vand.u32 $0x180, v6;
	v56 =	vshrl.u32 v5, $0x2  }
0x13: {  	v1 =	vand.u32 $0xFFFFFE00, v1;
	vm1 =	veq.s32 v5, $0x80000000;
	v57 =	vand.u32 $0x3FF, v56  }
0x14: {  	v1 =	vadd.s32 v3, v1;
	v5 =	vand.u32 $0x3, v5;
	v3 =	vsel vm1, $0xFFFFFFFF, v57  }
0x15: {  	v1 =	vor.u32 v6, v1;
	v5 =	vsel vm1, $0xFFFFFFFF, v5;
	v58 =	vshll.u32 v3, $0x2  }
0x16: {  	v59 =	vshll.u32 v5, $0x7;
	v5 =	vand.u32 $0xFFFFF000, v5;
	v6 =	vand.u32 $0xFFFFFE00, v58  }
0x17: {  	v1 =	vor.u32 v55, v1;
	v61 =	vand.u32 $0x180, v59;
	v60 =	vadd.s32 v5, v6  }
0x18: {  	[tilespmem:s16], [sflag:$0x1] =	stream.indirect_vreg.gather [hbm4b:s2+s10], $0x1, v0, vm0, $0x4038;
	v62 =	vand.u32 $0x7F, v3;
	v63 =	vor.u32 v61, v60;
	[tilespmem:$0x140] =	vst v63  }
0x19: {  	(ifvalue) =	ssetifvalue $0x7FFFFFFF;
	v0 =	vor.u32 v62, v63  }
0x1a: {  	[tilespmem:s15], [sflag:$0x1] =	stream.indirect_vreg.gather [hbm4b:s2+s10], $0x1, v2, vm0, $0x4038;
	[tilespmem:$0x140] =	vst v63  }
0x1b: {  	s29 =	sadd.s32 $0x10, s15;
	(ifvalue) =	ssetifvalue $0x7FFFFFFF  }
0x1c: {  	[tilespmem:s29], [sflag:$0x1] =	stream.indirect_vreg.gather [hbm4b:s2+s10], $0x1, v1, vm0, $0x4038;
	[tilespmem:$0x140] =	vst v63  }
0x1d: {  	s15 =	sadd.s32 $0x10, s29;
	(ifvalue) =	ssetifvalue $0x7FFFFFFF  }
0x1e: {  	[tilespmem:s15], [sflag:$0x1] =	stream.indirect_vreg.gather [hbm4b:s2+s10], $0x1, v0, vm0, $0x4038;
	[tilespmem:$0x140] =	vst v63  }
0x1f: {  	_ =	swait.ge [sflag:s5], $0x50  }
0x20: {  	s30 =	sshrl.u32 s13, $0x3;
	[sflag:s5] =	ssyncset.done $0x0  }
0x21: {  	s31 =	sand.u32 $0x7, s13;
	s15 =	sadd.s32 s8, s30;
	[sflag:s5] =	ssyncadd.s32 $0xFFFFFFB0  }
0x22: {  	[hbm4b:s15+s31] =	stream.linear.scatter [tilespmem:s14], [sflag:$0x3], $0x50, $0x38;
	[tilespmem:$0x140] =	vst v63  }
.LBB2_5:
0x23: {  	s15 =	sadd.s32 $0xA00, s11  }
0x24: {  	p1 =	sgt.s32 s15, $0xF9F  }
0x25: {  	s15 =	smov.u32 @p1 s4;
	p1 =	sne.s32 s12, s9  }
.Ltmp1:
0x26: {  	p0 =	slt.u32 s12, $0x2;
	(pc) =	sbr.rel @!p1 .LBB2_6-.Ltmp1, $4  }
0x27: {  	s14 =	simm.s32 @!p0 $0x3  }
0x28: {  	_ =	swait.ge @!p0 [sflag:s14], $0x50  }
0x29: {  	s16 =	sadd.s32 $0x1, s12;
	s13 =	smov.u32 s11;
	[sflag:s14] =	ssyncset.done @!p0 $0x0  }
0x2a: {  	s12 =	smov.u32 s16;
	s11 =	smov.u32 s15;
	[sflag:s14] =	ssyncadd.s32 @!p0 $0xFFFFFFB0  }
.LBB2_1:
0x2b: {  	p0 =	sge.u32 s12, s7  }
0x2c: {  	s14 =	sxor.u32 @!p0 $0x1, s12  }
0x2d: {  	s14 =	smul.u32 @!p0 $0x140, s14  }
0x2e: {  	s31 =	sadd.s32 $0xFFFFFFFF, s12;
	s15 =	sshrl.u32 @!p0 s11, $0x3  }
0x2f: {  	s16 =	sand.u32 @!p0 $0x7, s11;
	s15 =	sadd.s32 @!p0 s3, s15;
	s14 =	sshra.s32 @!p0 s14, $0x2  }
0x30: {  	[tilespmem:s14], [sflag:$0x2] =	stream.linear.gather @!p0 [hbm4b:s15+s16], $0x50, $0x38;
	[tilespmem:$0x140] =	vst v63  }
0x31: {  	p0 =	sge.u32 s31, s7  }
.Ltmp2:
0x32: {  	_ = 	snop;
	(pc) =	sbr.rel @p0 .LBB2_5-.Ltmp2, $1  }
0x33: {  	_ =	sdelay $0x3  }
0x34: {  	s14 =	sand.u32 $0x1, s12  }
0x35: {  	_ =	swait.ge [sflag:s6], $0x50;
	p0 =	seq.s32 s14, $0x1;
	s14 =	simm.s32 $0x50  }
0x36: {  	[sflag:s6] =	ssyncset.done $0x0;
	s14 =	simm.s32 @!p0 $0x0  }
0x37: {  	[sflag:s6] =	ssyncadd.s32 $0xFFFFFFB0;
	(ifvalue) =	ssetifvalue $0x7FFFFFFF;
	v0 =	vld.msk [tilespmem:s14+$0x0 ss:$0x1], $0xffff;
	_ =	sdelay $0x4  }
0x38: {  	s15 =	sadd.s32 $0x10, s14;
	v2 =	vshrl.u32 v0, $0x2  }
0x39: {  	v1 =	vld.msk [tilespmem:s15+$0x0 ss:$0x1], $0xffff;
	vm1 =	veq.s32 v0, $0x80000000;
	v2 =	vand.u32 $0x3FF, v2  }
0x3a: {  	v0 =	vand.u32 $0x3, v0;
	v2 =	vsel vm1, $0xFFFFFFFF, v2  }
0x3b: {  	v0 =	vsel vm1, $0xFFFFFFFF, v0;
	v3 =	vshll.u32 v2, $0x2  }
0x3c: {  	v4 =	vand.u32 $0xFFFFF000, v0;
	v0 =	vshll.u32 v0, $0x7;
	v3 =	vand.u32 $0xFFFFFE00, v3  }
0x3d: {  	v0 =	vand.u32 $0x180, v0;
	v3 =	vadd.s32 v4, v3  }
0x3e: {  	v2 =	vand.u32 $0x7F, v2;
	v4 =	vshrl.u32 v1, $0x2;
	v0 =	vor.u32 v0, v3  }
0x3f: {  	vm1 =	veq.s32 v1, $0x80000000;
	v4 =	vand.u32 $0x3FF, v4;
	v0 =	vor.u32 v2, v0  }
0x40: {  	s15 =	sadd.s32 $0x10, s15;
	v1 =	vand.u32 $0x3, v1;
	v3 =	vsel vm1, $0xFFFFFFFF, v4  }
0x41: {  	s14 =	sor.u32 $0xA0, s14;
	v2 =	vsel vm1, $0xFFFFFFFF, v1;
	v1 =	vld.msk [tilespmem:s15+$0x0 ss:$0x1], $0xffff;
	v4 =	vshll.u32 v3, $0x2  }
0x42: {  	s17 =	simm.s32 $0x30;
	s16 =	smov.u32 s14;
	v5 =	vshll.u32 v2, $0x7;
	v6 =	vand.u32 $0xFFFFF000, v2;
	v4 =	vand.u32 $0xFFFFFE00, v4  }
0x43: {  	s18 =	sadd.s32 $0x10, s15;
	(ifvalue) =	ssetifvalue $0x7FFFFFFF;
	s15 =	sadd.s32 $0x10, s14;
	v2 =	vand.u32 $0x7F, v3;
	v3 =	vadd.s32 v6, v4;
	v4 =	vand.u32 $0x180, v5  }
.LBB2_3:
0x44: {  	[tilespmem:s16], [sflag:$0x1] =	stream.indirect_vreg.gather [hbm4b:s2+s10], $0x1, v0, vm0, $0x4038;
	[tilespmem:$0x140] =	vst v63  }
0x45: {  	s17 =	sadd.s32 $0x10, s17  }
0x46: {  	v5 =	vand.u32 $0x3, v1;
	v6 =	vshrl.u32 v1, $0x2;
	v3 =	vor.u32 v4, v3;
	v0 =	vmovc v1;
	v1 =	vld.msk [tilespmem:s18+$0x0 ss:$0x1], $0xffff;
	p0 =	slt.u32 s17, $0x40  }
.Ltmp3:
0x47: {  	s16 =	smov.u32 s15;
	vm1 =	veq.s32 v0, $0x80000000;
	v4 =	vand.u32 $0x3FF, v6;
	v0 =	vor.u32 v2, v3;
	(pc) =	sbr.rel @p0 .LBB2_3-.Ltmp3, $4  }
0x48: {  	v3 =	vsel vm1, $0xFFFFFFFF, v5;
	v4 =	vsel vm1, $0xFFFFFFFF, v4  }
0x49: {  	v2 =	vand.u32 $0x7F, v4;
	v4 =	vshll.u32 v4, $0x2;
	v5 =	vshll.u32 v3, $0x7  }
0x4a: {  	v3 =	vand.u32 $0xFFFFF000, v3;
	v4 =	vand.u32 $0xFFFFFE00, v4  }
0x4b: {  	s18 =	sadd.s32 $0x10, s18;
	s15 =	sadd.s32 $0x10, s15;
	v3 =	vadd.s32 v3, v4;
	v4 =	vand.u32 $0x180, v5;
	(ifvalue) =	ssetifvalue $0x7FFFFFFF  }
.Ltmp4:
0x4c: {  	_ = 	snop;
	(pc) =	sbr.rel .LBB2_4-.Ltmp4, $1  }
0x4d: {  	_ =	sdelay $0x3  }
.LBB2_6:
0x4e: {  	_ =	sfence.sel $0x180000  }
0x4f: {  	s2 =	simm.s32 $0x2;
	[bflag:$0x0] =	sbarrier.arrive $0xFFFF  }
0x50: {  	s30 =	simm.s32 $0x3;
	[sflag:s2] =	ssyncpa.u1 $0x1  }
0x51: {  	s31 =	simm.s32 $0x1;
	[sflag:s30] =	ssyncpa.u1 $0x1  }
0x52: {  	[sflag:s31] =	ssyncpa.u1 $0x1  }
0x53: {  	p0 =	sne.s32 s0, $0x0;
	_ =	strace $0x9000004D  }
0x54: {  	s0 =	sadd.s32 @!p0 $0x100000, s1;
	[bflag:$0x2] =	sbarrier.arrive $0xFFFF  }
0x55: {  	[sflag:s0] =	ssyncadd.tile.s32 @!p0 $0x1;
	_ =	shalt  }
.Lfunc_end2:
_tile_overlayer_lowered:
.L_overlay_start_2:
0x56: {  	(tag) =	ssettag $0x2  }
0x57: {  	s0 =	rddreg [dreg:$0x0];
	s2 =	stileid.u32  }
0x58: {  	s1 =	rddreg [dreg:$0x1];
	p0 =	sne.s32 s2, $0x0  }
0x59: {  	s3 =	rddreg [dreg:$0x2];
	[bflag:$0x3] =	sbarrier.arrive $0xFFFF;
	s2 =	simm.s32 @!p0 $0x1C01  }
0x5a: {  	[timem:s3], [sflag:s2] =	dma.local @!p0 [hbm:s0], s1  }
0x5b: {  	s0 =	simm.s32 @!p0 $0x1  }
0x5c: {  	_ =	swait.ge @!p0 [sflag:s0], s1  }
0x5d: {  	s1 =	ssub.s32 @!p0 $0x0, s1;
	[sflag:s0] =	ssyncset.done @!p0 $0x0  }
0x5e: {  	[sflag:s0] =	ssyncadd.s32 @!p0 s1  }
0x5f: {  	[bflag:$0x3] =	sbarrier.arrive $0xFFFF  }
0x60: {  	_ =	shalt  }

// kernel: gather_offload_async_start.4
scs
__scs_entry_jumppad:
0x0: {  	(pc) =	sbr.rel $0x88, $3  }
0x1: {  	(tag) =	ssettag $0x0;
	lr =	simm.s32 $0x1  }
0x2: {  	[smem:$0x3F9F] =	sst lr;
	_ =	strace $0xD0000000  }
0x3: {  	_ = 	snop  }
0x4: {  	_ = 	snop  }
0x5: {  	_ = 	snop  }
0x6: {  	_ = 	snop  }
0x7: {  	_ = 	snop  }
__scs_overlays_trampoline_lowered:
0x8: {  	[smem:$0x3FAE] =	sst s0  }
0x9: {  	[smem:$0x3FAF] =	sst s1  }
0xa: {  	[smem:$0x3FB0] =	sst s2  }
0xb: {  	[smem:$0x3FB1] =	sst s3  }
0xc: {  	[smem:$0x3FB2] =	sst s4  }
0xd: {  	[smem:$0x3FB3] =	sst s5  }
0xe: {  	[smem:$0x3FB4] =	sst s6  }
0xf: {  	[smem:$0x3FB5] =	sst s7  }
0x10: {  	[smem:$0x3FB6] =	sst s8  }
0x11: {  	[smem:$0x3FB7] =	sst s9;
	s0 =	simm.s32 @!p0 $0x0  }
0x12: {  	s1 =	sld [smem:$0x3F9D];
	s0 =	simm.s32 @p0 $0x1  }
0x13: {  	[smem:$0x3FB8] =	sst s0;
	s0 =	simm.s32 @!p1 $0x0  }
0x14: {  	s2 =	sld [smem:$0x3F9C];
	s0 =	simm.s32 @p1 $0x1  }
0x15: {  	[smem:$0x3FB9] =	sst s0;
	s0 =	simm.s32 @!p2 $0x0  }
0x16: {  	s3 =	sld [smem:$0x3FDB];
	s0 =	simm.s32 @p2 $0x1  }
0x17: {  	s4 =	simm.s32 $0x1BF5;
	[smem:$0x3FBB] =	sst s0  }
0x18: {  	s0 =	sld [smem:$0x3F9E];
	_ =	swait.ge [sflag:s4], $0x0  }
0x19: {  	s7 =	sld [smem:$0x3F9F]  }
0x1a: {  	s8 =	sadd.s32 $0xFFFFE003, lr  }
0x1b: {  	s9 =	sadd.s32 $0xFFFFFEF7, lr;
	s5 =	simm.s32 $0xFFFFFFFF;
	p2 =	slt.u32 s8, $0xFFFFF086  }
0x1c: {  	p1 =	slt.u32 s9, $0xF7A;
	s5 =	simm.s32 @!p2 $0x0  }
0x1d: {  	s5 =	simm.s32 @p1 $0x1;
	p0 =	seq.s32 s7, s2  }
0x1e: {  	s7 =	smul.u32 @!p0 $0xF7A, s2;
	p2 =	seq.s32 @!p0 s5, $0x0  }
0x1f: {  	s9 =	smul.u32 $0xF7A, s1;
	s8 =	simm.s32 @!p0 $0x1BF5;
	p2 =	por !p2, p0  }
0x20: {  	[sflag:s8] =	ssyncset.s32 @!p0 $0xFFFFF086;
	s6 =	sadd.s32 @!p0 s3, s7;
	s7 =	simm.s32 @!p0 $0x108  }
0x21: {  	s3 =	sadd.s32 s3, s9;
	s6 =	sadd.s32 @!p0 $0x88, s6;
	s7 =	simm.s32 @p2 $0x1082  }
0x22: {  	[simem:s7], [sflag:s8] =	dma.local @!p0 [hbm:s6], $0xF7A  }
0x23: {  	s9 =	sor.u32 $0xD0000000, s2;
	s6 =	simm.s32 $0x108;
	_ =	swait.ge @!p0 [sflag:s8], $0x0  }
0x24: {  	s3 =	sadd.s32 $0x88, s3;
	s6 =	simm.s32 @!p1 $0x1082;
	[sflag:s4] =	ssyncset.s32 $0xFFFFF086  }
0x25: {  	[simem:s6], [sflag:s4] =	dma.local [hbm:s3], $0xF7A  }
0x26: {  	[smem:$0x3F9F] =	sst s1;
	(tag) =	ssettag s2;
	_ =	strace s9  }
0x27: {  	s1 =	sld [smem:$0x3FAF]  }
0x28: {  	s2 =	sld [smem:$0x3FB0]  }
0x29: {  	s4 =	sld [smem:$0x3FB2]  }
0x2a: {  	p0 =	seq.s32 s5, $0x0;
	s5 =	sld [smem:$0x3FB3]  }
0x2b: {  	s6 =	sld [smem:$0x3FB4]  }
0x2c: {  	s7 =	sld [smem:$0x3FB5]  }
0x2d: {  	s3 =	simm.s32 $0x108;
	s8 =	sld [smem:$0x3FB6]  }
0x2e: {  	s3 =	simm.s32 @!p0 $0x1082;
	s9 =	sld [smem:$0x3FB7]  }
0x2f: {  	lr =	sadd.s32 s0, s3;
	s0 =	sld [smem:$0x3FAE]  }
0x30: {  	s3 =	sld [smem:$0x3FB1]  }
0x31: {  	[smem:$0x3FBA] =	sst s10  }
0x32: {  	s10 =	sld [smem:$0x3FB8];
	_ =	sdelay $0x3  }
0x33: {  	p0 =	seq.s32 s10, $0x1;
	s10 =	sld [smem:$0x3FBA];
	_ =	sdelay $0x3  }
0x34: {  	[smem:$0x3FBA] =	sst s10  }
0x35: {  	s10 =	sld [smem:$0x3FB9];
	_ =	sdelay $0x3  }
0x36: {  	p1 =	seq.s32 s10, $0x1;
	s10 =	sld [smem:$0x3FBA];
	_ =	sdelay $0x3  }
0x37: {  	[smem:$0x3FBA] =	sst s10  }
0x38: {  	s10 =	sld [smem:$0x3FBB]  }
0x39: {  	_ = 	snop;
	(pc) =	sbr.ind lr, $3  }
0x3a: {  	_ = 	snop  }
0x3b: {  	_ = 	snop  }
0x3c: {  	p2 =	seq.s32 s10, $0x1;
	s10 =	sld [smem:$0x3FBA]  }
0x3d: {  	_ =	shalt  }
0x3e: {  	_ =	shalt  }
0x3f: {  	_ =	shalt  }
0x40: {  	_ =	shalt  }
0x41: {  	_ =	shalt  }
0x42: {  	_ =	shalt  }
0x43: {  	_ =	shalt  }
0x44: {  	_ =	shalt  }
0x45: {  	_ =	shalt  }
0x46: {  	_ =	shalt  }
0x47: {  	_ =	shalt  }
0x48: {  	_ =	shalt  }
0x49: {  	_ =	shalt  }
0x4a: {  	_ =	shalt  }
0x4b: {  	_ =	shalt  }
0x4c: {  	_ =	shalt  }
0x4d: {  	_ =	shalt  }
0x4e: {  	_ =	shalt  }
0x4f: {  	_ =	shalt  }
0x50: {  	_ =	shalt  }
0x51: {  	_ =	shalt  }
0x52: {  	_ =	shalt  }
0x53: {  	_ =	shalt  }
0x54: {  	_ =	shalt  }
0x55: {  	_ =	shalt  }
0x56: {  	_ =	shalt  }
0x57: {  	_ =	shalt  }
0x58: {  	_ =	shalt  }
0x59: {  	_ =	shalt  }
0x5a: {  	_ =	shalt  }
0x5b: {  	_ =	shalt  }
0x5c: {  	_ =	shalt  }
0x5d: {  	_ =	shalt  }
0x5e: {  	_ =	shalt  }
0x5f: {  	_ =	shalt  }
0x60: {  	_ =	shalt  }
0x61: {  	_ =	shalt  }
0x62: {  	_ =	shalt  }
0x63: {  	_ =	shalt  }
0x64: {  	_ =	shalt  }
0x65: {  	_ =	shalt  }
0x66: {  	_ =	shalt  }
0x67: {  	_ =	shalt  }
0x68: {  	_ =	shalt  }
0x69: {  	_ =	shalt  }
0x6a: {  	_ =	shalt  }
0x6b: {  	_ =	shalt  }
0x6c: {  	_ =	shalt  }
0x6d: {  	_ =	shalt  }
0x6e: {  	_ =	shalt  }
0x6f: {  	_ =	shalt  }
0x70: {  	_ =	shalt  }
0x71: {  	_ =	shalt  }
0x72: {  	_ =	shalt  }
0x73: {  	_ =	shalt  }
0x74: {  	_ =	shalt  }
0x75: {  	_ =	shalt  }
0x76: {  	_ =	shalt  }
0x77: {  	_ =	shalt  }
0x78: {  	_ =	shalt  }
0x79: {  	_ =	shalt  }
0x7a: {  	_ =	shalt  }
0x7b: {  	_ =	shalt  }
0x7c: {  	_ =	shalt  }
0x7d: {  	_ =	shalt  }
0x7e: {  	_ =	shalt  }
0x7f: {  	_ =	shalt  }
0x80: {  	_ =	shalt  }
0x81: {  	_ =	shalt  }
0x82: {  	_ =	shalt  }
0x83: {  	_ =	shalt  }
0x84: {  	_ =	shalt  }
0x85: {  	_ =	shalt  }
0x86: {  	_ =	shalt  }
0x87: {  	_ =	shalt  }
.Lfunc_end0:
.L_simem_size_0:
called_computation.4_lowered:
.L_overlay_start_0:
0x88: {  	s2 =	sld [smem:$0x3FD9]  }
0x89: {  	s3 =	sld [smem:$0x3FFE];
	_ =	sdelay $0x1  }
0x8a: {  	s1 =	srdreg.scid  }
0x8b: {  	s0 =	sand.u32 $0x1, s1  }
0x8c: {  	s14 =	sshll.u32 s0, $0xA;
	s2 =	sadd.s32 s3, s2  }
0x8d: {  	s2 =	sadd.s32 s2, s14  }
0x8e: {  	[smem:$0x3FC6] =	sst s2  }
0x8f: {  	_ = 	snop  }
0x90: {  	s2 =	sld [smem:$0x3FD0];
	_ =	sdelay $0x2  }
0x91: {  	s15 =	simm.s32 $0xB;
	s4 =	simm.s32 $0x10  }
0x92: {  	[smem:s4], [sflag:s15] =	dma.local [hbm:s2], $0x1  }
0x93: {  	_ =	swait.eq [sflag:s15], $0x1  }
0x94: {  	[sflag:s15] =	ssyncset.done $0x0  }
0x95: {  	[sflag:s15] =	ssyncadd.s32 $0xFFFFFFFF  }
0x96: {  	s16 =	sld [smem:$0x10];
	(tm) =	ssettm $0x1  }
0x97: {  	s17 =	sld [smem:$0x3FFB];
	_ =	sdelay $0x3  }
0x98: {  	_ =	strace s17  }
0x99: {  	s3 =	sld [smem:$0x3FFC];
	_ =	sdelay $0x3  }
0x9a: {  	_ =	strace s3  }
0x9b: {  	s3 =	sld [smem:$0x3FFD];
	_ =	sdelay $0x3  }
0x9c: {  	_ =	strace s3  }
0x9d: {  	_ =	strace $0x8FFFFFFF  }
0x9e: {  	s18 =	sld [smem:$0x3FDB];
	_ =	sdelay $0x1  }
0x9f: {  	s19 =	simm.s32 $_scs_section_size  }
0xa0: {  	s5 =	simm.s32 $_size__tile_overlayer_lowered;
	s6 =	simm.s32 $_tile_overlayer_lowered  }
0xa1: {  	s22 =	simm.s32 $0x1BFF;
	s21 =	sshll.u32 s6, $0x1;
	s3 =	sadd.s32 s19, s18  }
0xa2: {  	s7 =	simm.s32 $0x0;
	s20 =	sshll.u32 s5, $0x1;
	s5 =	sadd.s32 s21, s3  }
0xa3: {  	[timem:s7], [sflag:s22] =	dma.local [hbm:s5], s20  }
0xa4: {  	_ =	swait.ge [sflag:s22], s20  }
0xa5: {  	s4 =	ssub.s32 $0x0, s20;
	[sflag:s22] =	ssyncset.done $0x0  }
0xa6: {  	[sflag:s22] =	ssyncadd.s32 s4;
	_ =	sdelay $0x1  }
0xa7: {  	s23 =	simm.s32 $0x1B8B  }
0xa8: {  	_ =	swait.ge [sflag:s23], $0x1  }
0xa9: {  	[sflag:s23] =	ssyncset.done $0x0  }
0xaa: {  	s25 =	simm.s32 $0x1B8E;
	s24 =	sld [smem:$0x3FFE];
	[sflag:s23] =	ssyncadd.s32 $0xFFFFFFFF  }
0xab: {  	s26 =	simm.s32 $execute0_lowered;
	[smem:$0x3FD2] =	sst s25  }
0xac: {  	s5 =	sshll.u32 s26, $0x1;
	_ =	strace $0x80000058;
	[dreg:$0x1] =	wrdreg $0xFFFFFFFF  }
0xad: {  	s28 =	simm.s32 $_size_execute0_lowered;
	s3 =	sadd.s32 s3, s5;
	[dreg:$0x0] =	wrdreg $0x0  }
0xae: {  	s5 =	sshll.u32 s28, $0x1;
	[dreg:$0x2] =	wrdreg s3  }
0xaf: {  	[dreg:$0x3] =	wrdreg s5  }
0xb0: {  	[dreg:$0x4] =	wrdreg $0xC0  }
0xb1: {  	_ =	task [dreg:s7], $0x5FFFF  }
0xb2: {  	[dreg:$0x1] =	wrdreg $0xFFFFFFFF  }
0xb3: {  	[dreg:$0x0] =	wrdreg $0x60  }
0xb4: {  	[dreg:$0x2] =	wrdreg s24  }
0xb5: {  	[dreg:$0x3] =	wrdreg s16  }
0xb6: {  	[dreg:$0x4] =	wrdreg $0x9  }
0xb7: {  	_ =	task.clear_ibuf [dreg:s7], $0x5FFFF;
	_ =	strace $0x90000058  }
0xb8: {  	s29 =	simm.s32 $0x9;
	_ =	strace $0x8000005A  }
0xb9: {  	_ =	swait.ge [sflag:s29], $0x1  }
0xba: {  	[sflag:s29] =	ssyncadd.s32 $0xFFFFFFFF  }
0xbb: {  	_ =	strace $0x9000005A  }
0xbc: {  	_ =	sfence  }
0xbd: {  	s30 =	sld [smem:$0x0];
	_ =	sdelay $0x2  }
0xbe: {  	s31 =	sshll.u32 s1, $0xD;
	s1 =	sshrl.u32 s1, $0x2  }
0xbf: {  	s3 =	sand.u32 $0x4000, s31;
	s1 =	sadd.s32 s1, s30  }
0xc0: {  	s0 =	sor.u32 s3, s0;
	s1 =	sshll.u32 s1, $0x11  }
0xc1: {  	s0 =	sor.u32 s1, s0  }
0xc2: {  	s0 =	sadd.s32 $0x8F2B, s0  }
0xc3: {  	[sflag:s0] =	ssyncadd.remote.s32 $0x1  }
0xc4: {  	_ =	sfence.sel $0xFFFF  }
0xc5: {  	[dreg:$0x0] =	wrdreg $0xFFFFFFFF;
	(pc) =	sbr.abs _section_cstart, $3  }
0xc6: {  	[dreg:$0x1] =	wrdreg $0xFFFFFFFF  }
0xc7: {  	_ =	task.clear_ibuf [dreg:s7], $0x2FFFF;
	_ =	strace $0x9FFFFFFF  }
0xc8: {  	(tm) =	ssettm $0x7FFFFFFF  }
0xc9: {  	_ =	shalt  }
tec
execute0_lowered:
.L_overlay_start_1:
0x0: {  	(tag) =	ssettag $0x1  }
0x1: {  	s0 =	srdreg.scid  }
0x2: {  	s1 =	sshll.u32 s0, $0x4  }
0x3: {  	s0 =	stileid.u32;
	s1 =	sand.u32 $0x10, s1  }
0x4: {  	s2 =	sor.u32 s0, s1  }
0x5: {  	s1 =	smin.u32 s2, $0x12  }
0x6: {  	s1 =	sadd.s32 s2, s1  }
0x7: {  	p0 =	slt.u32 s2, $0x12;
	s2 =	simm.s32 $0xA0;
	s1 =	smul.u32 $0x50, s1  }
0x8: {  	s2 =	simm.s32 @!p0 $0x50  }
0x9: {  	s2 =	sadd.s32 s2, s1  }
0xa: {  	s3 =	smin.u32 s2, $0xFA0  }
0xb: {  	s7 =	ssub.s32 s3, s1  }
0xc: {  	p0 =	sgt.s32 s7, $0x0  }
0xd: {  	s7 =	simm.s32 @!p0 $0x0  }
0xe: {  	s4 =	rddreg [dreg:$0x0];
	s31 =	smul.u32 $0xCCCD, s7  }
0xf: {  	s5 =	rddreg [dreg:$0x1]  }
0x10: {  	s6 =	simm.s32 $0x1;
	s10 =	simm.s32 $0x3;
	s8 =	sshrl.u32 s31, $0x16  }
0x11: {  	s13 =	simm.s32 $0x0;
	s12 =	simm.s32 $0x0;
	s9 =	smul.u32 $0x50, s8  }
.Ltmp0:
0x12: {  	s11 =	smov.u32 s1;
	s2 =	rddreg [dreg:$0x2];
	(pc) =	sbr.rel .LBB2_1-.Ltmp0, $4  }
0x13: {  	_ =	strace $0x80000059;
	p0 =	sne.s32 s7, s9;
	s9 =	simm.s32 $0x1  }
0x14: {  	[sflag:s6] =	ssyncpa.u1 $0x0;
	s7 =	simm.s32 $0x2;
	s9 =	simm.s32 @!p0 $0x0  }
0x15: {  	[sflag:s7] =	ssyncpa.u1 $0x0;
	p0 =	por $0x0, $0x0;
	s8 =	sadd.s32 s8, s9  }
0x16: {  	vm0 =	vmmov $0xff;
	vm1 =	vcmask $0x3F20;
	s9 =	sadd.s32 $0xFA00, s4;
	[sflag:s10] =	ssyncpa.u1 $0x0;
	s10 =	sadd.s32 $0x1, s8  }
.LBB2_6:
0x17: {  	[hbm:s17] =	stream.linear.scatter [tilespmem:s14], [sflag:$0x3], $0x400, $0x38;
	[tilespmem:$0x50A0] =	vst v63  }
.LBB2_7:
0x18: {  	s13 =	sadd.s32 $0x50, s11  }
0x19: {  	s15 =	smov.u32 s1;
	p2 =	slt.s32 s13, s3  }
0x1a: {  	s15 =	smov.u32 @p2 s13;
	p2 =	sne.s32 s12, s10  }
.Ltmp1:
0x1b: {  	p1 =	slt.u32 s12, $0x2;
	(pc) =	sbr.rel @!p2 .LBB2_8-.Ltmp1, $4  }
0x1c: {  	s14 =	simm.s32 @!p1 $0x3  }
0x1d: {  	s16 =	sadd.s32 $0x1, s12;
	_ =	swait.ge @!p1 [sflag:s14], $0x2800  }
0x1e: {  	p0 =	por !p0, !p0;
	s13 =	smov.u32 s11;
	[sflag:s14] =	ssyncset.done @!p1 $0x0  }
0x1f: {  	s12 =	smov.u32 s16;
	s11 =	smov.u32 s15;
	[sflag:s14] =	ssyncadd.s32 @!p1 $0xFFFFD800  }
.LBB2_1:
0x20: {  	p1 =	sge.u32 s12, s8  }
0x21: {  	s14 =	sxor.u32 @!p1 $0xFFFFFFFF, s12  }
0x22: {  	s14 =	sand.u32 @!p1 $0x1, s14  }
0x23: {  	s14 =	smul.u32 @!p1 $0x140, s14  }
0x24: {  	s31 =	sadd.s32 $0xFFFFFFFF, s12;
	s15 =	sshrl.u32 @!p1 s11, $0x3  }
0x25: {  	s16 =	sand.u32 @!p1 $0x7, s11;
	s15 =	sadd.s32 @!p1 s5, s15;
	s14 =	sshrl.u32 @!p1 s14, $0x2  }
0x26: {  	[tilespmem:s14], [sflag:$0x2] =	stream.linear.gather @!p1 [hbm4b:s15+s16], $0x50, $0x38;
	[tilespmem:$0x50A0] =	vst v63  }
0x27: {  	p1 =	sge.u32 s31, s8  }
.Ltmp2:
0x28: {  	_ = 	snop;
	(pc) =	sbr.rel @p1 .LBB2_7-.Ltmp2, $1  }
0x29: {  	_ =	sdelay $0x3  }
0x2a: {  	s14 =	simm.s32 $0x1  }
0x2b: {  	s14 =	simm.s32 @!p0 $0x0  }
0x2c: {  	s15 =	smul.u32 $0x140, s14  }
0x2d: {  	_ =	swait.ge [sflag:s7], $0x50  }
0x2e: {  	[sflag:s7] =	ssyncset.done $0x0;
	s16 =	sshrl.u32 s15, $0x2  }
0x2f: {  	[sflag:s7] =	ssyncadd.s32 $0xFFFFFFB0;
	s15 =	sadd.s32 $0x0, s16  }
0x30: {  	v0 =	vld.msk [tilespmem:s15+$0x0 ss:$0x1], $0xffff;
	_ =	sdelay $0x4  }
0x31: {  	v1 =	vand.u32 $0x3, v0;
	v2 =	vshll.u32 v0, $0x5  }
0x32: {  	vm2 =	veq.s32 v0, $0x80000000;
	v0 =	vmul.u32 $0x1F400, v1;
	v1 =	vand.u32 $0x1FF80, v2  }
0x33: {  	v1 =	vsel vm2, $0xFFFFFF80, v1  }
0x34: {  	v0 =	vsel vm2, $0xFFFE0C00, v0;
	v2 =	vand.u32 $0xFFFFFC00, v1  }
0x35: {  	v1 =	vand.u32 $0x380, v1;
	v0 =	vadd.s32 v0, v2  }
0x36: {  	v0 =	vor.u32 v1, v0  }
0x37: {  	v0 =	vshrl.u32 v0, $0x3  }
0x38: {  	s14 =	smul.u32 $0xA000, s14;
	_ =	sdelay $0x1  }
0x39: {  	s14 =	sshrl.u32 s14, $0x2  }
0x3a: {  	s14 =	sor.u32 $0xA0, s14  }
0x3b: {  	[tilespmem:s14], [sflag:$0x1] =	stream.indirect_vreg.gather [hbm:s4], $0x80, v0, vm0, $0x38;
	[tilespmem:$0x50A0] =	vst v63  }
0x3c: {  	s17 =	sadd.s32 $0x10, s16;
	s15 =	sadd.s32 $0x400, s14  }
0x3d: {  	[tilespmem:s15], [sflag:$0x1] =	stream.indirect_vreg.gather [hbm:s4], $0x80, v0, vm1, $0x38;
	[tilespmem:$0x50A0] =	vst v63  }
0x3e: {  	s18 =	simm.s32 $0x80;
	v0 =	vld.msk [tilespmem:s17+$0x0 ss:$0x1], $0xffff;
	s17 =	smov.u32 s14  }
.LBB2_3:
0x3f: {  	p1 =	sne.s32 s18, $0x100;
	_ =	sdelay $0x4  }
0x40: {  	v1 =	vand.u32 $0x3, v0;
	v2 =	vshll.u32 v0, $0x5  }
0x41: {  	vm2 =	veq.s32 v0, $0x80000000;
	v0 =	vmul.u32 $0x1F400, v1;
	v1 =	vand.u32 $0x1FF80, v2  }
0x42: {  	v1 =	vsel vm2, $0xFFFFFF80, v1  }
0x43: {  	v0 =	vsel vm2, $0xFFFE0C00, v0;
	v2 =	vand.u32 $0xFFFFFC00, v1  }
0x44: {  	v1 =	vand.u32 $0x380, v1;
	v0 =	vadd.s32 v0, v2  }
0x45: {  	v0 =	vor.u32 v1, v0  }
0x46: {  	v0 =	vshrl.u32 v0, $0x3;
	_ =	sdelay $0x3  }
.Ltmp3:
0x47: {  	s19 =	sshra.s32 s18, $0x2;
	s17 =	sadd.s32 $0x800, s17;
	(pc) =	sbr.rel @p1 .LBB2_3-.Ltmp3, $4  }
0x48: {  	[tilespmem:s17], [sflag:$0x1] =	stream.indirect_vreg.gather [hbm:s4], $0x80, v0, vm0, $0x38;
	[tilespmem:$0x50A0] =	vst v63  }
0x49: {  	s19 =	sadd.s32 s19, s16;
	s20 =	sadd.s32 $0x400, s17  }
0x4a: {  	[tilespmem:s20], [sflag:$0x1] =	stream.indirect_vreg.gather [hbm:s4], $0x80, v0, vm1, $0x38;
	[tilespmem:$0x50A0] =	vst v63  }
0x4b: {  	s18 =	sadd.s32 $0x40, s18;
	v0 =	vld.msk [tilespmem:s19+$0x0 ss:$0x1], $0xffff  }
0x4c: {  	_ =	sdelay $0x3  }
0x4d: {  	v1 =	vand.u32 $0x3, v0;
	v2 =	vshll.u32 v0, $0x5  }
0x4e: {  	vm2 =	veq.s32 v0, $0x80000000;
	v61 =	vmul.u32 $0x1F400, v1;
	v62 =	vand.u32 $0x1FF80, v2  }
0x4f: {  	v1 =	vsel vm2, $0xFFFFFF80, v62  }
0x50: {  	v0 =	vsel vm2, $0xFFFE0C00, v61;
	v63 =	vand.u32 $0xFFFFFC00, v1  }
0x51: {  	v1 =	vand.u32 $0x380, v1;
	v0 =	vadd.s32 v0, v63  }
0x52: {  	v0 =	vor.u32 v1, v0  }
0x53: {  	v0 =	vshrl.u32 v0, $0x3;
	_ =	sdelay $0x3  }
0x54: {  	s16 =	sadd.s32 $0x800, s17  }
0x55: {  	[tilespmem:s16], [sflag:$0x1] =	stream.indirect_vreg.gather [hbm:s4], $0x80, v0, vm0, $0x38;
	[tilespmem:$0x50A0] =	vst v63  }
0x56: {  	s16 =	sadd.s32 $0x400, s16  }
0x57: {  	[tilespmem:s16], [sflag:$0x1] =	stream.indirect_vreg.gather [hbm:s4], $0x80, v0, vm1, $0x38;
	[tilespmem:$0x50A0] =	vst v63  }
0x58: {  	s13 =	sshll.u32 s13, $0x4;
	_ =	swait.ge [sflag:s6], $0x2800  }
0x59: {  	s13 =	sadd.s32 s13, s9;
	[sflag:s6] =	ssyncset.done $0x0  }
0x5a: {  	s17 =	sadd.s32 $0x0, s13;
	s16 =	simm.s32 $0x80;
	[sflag:s6] =	ssyncadd.s32 $0xFFFFD800  }
.LBB2_5:
0x5b: {  	[hbm:s17] =	stream.linear.scatter [tilespmem:s14], [sflag:$0x3], $0x400, $0x38;
	[tilespmem:$0x50A0] =	vst v63  }
0x5c: {  	s17 =	smov.u32 s16;
	s14 =	smov.u32 s15;
	p1 =	sne.s32 s16, $0x480  }
.Ltmp4:
0x5d: {  	s16 =	sadd.s32 $0x80, s16;
	(pc) =	sbr.rel @p1 .LBB2_5-.Ltmp4, $2  }
0x5e: {  	_ =	sdelay $0x2  }
0x5f: {  	s15 =	sadd.s32 $0x400, s15;
	s17 =	sadd.s32 s17, s13  }
.Ltmp5:
0x60: {  	_ = 	snop;
	(pc) =	sbr.rel .LBB2_6-.Ltmp5, $1  }
0x61: {  	_ =	sdelay $0x3  }
.LBB2_8:
0x62: {  	_ =	sfence.sel $0x180000  }
0x63: {  	s1 =	simm.s32 $0x2;
	[bflag:$0x0] =	sbarrier.arrive $0xFFFF  }
0x64: {  	s30 =	simm.s32 $0x3;
	[sflag:s1] =	ssyncpa.u1 $0x1  }
0x65: {  	s31 =	simm.s32 $0x1;
	[sflag:s30] =	ssyncpa.u1 $0x1  }
0x66: {  	[sflag:s31] =	ssyncpa.u1 $0x1  }
0x67: {  	p0 =	sne.s32 s0, $0x0;
	_ =	strace $0x90000059  }
0x68: {  	s0 =	sadd.s32 @!p0 $0x100000, s2;
	[bflag:$0x2] =	sbarrier.arrive $0xFFFF  }
0x69: {  	[sflag:s0] =	ssyncadd.tile.s32 @!p0 $0x1;
	_ =	shalt  }
.Lfunc_end2:
_tile_overlayer_lowered:
.L_overlay_start_2:
0x6a: {  	(tag) =	ssettag $0x2  }
0x6b: {  	s0 =	rddreg [dreg:$0x0];
	s2 =	stileid.u32  }
0x6c: {  	s1 =	rddreg [dreg:$0x1];
	p0 =	sne.s32 s2, $0x0  }
0x6d: {  	s3 =	rddreg [dreg:$0x2];
	[bflag:$0x3] =	sbarrier.arrive $0xFFFF;
	s2 =	simm.s32 @!p0 $0x1C01  }
0x6e: {  	[timem:s3], [sflag:s2] =	dma.local @!p0 [hbm:s0], s1  }
0x6f: {  	s0 =	simm.s32 @!p0 $0x1  }
0x70: {  	_ =	swait.ge @!p0 [sflag:s0], s1  }
0x71: {  	s1 =	ssub.s32 @!p0 $0x0, s1;
	[sflag:s0] =	ssyncset.done @!p0 $0x0  }
0x72: {  	[sflag:s0] =	ssyncadd.s32 @!p0 s1  }
0x73: {  	[bflag:$0x3] =	sbarrier.arrive $0xFFFF  }
0x74: {  	_ =	shalt  }

// kernel: gather_offload_async_start.5
scs
__scs_entry_jumppad:
0x0: {  	(pc) =	sbr.rel $0x88, $3  }
0x1: {  	(tag) =	ssettag $0x0;
	lr =	simm.s32 $0x1  }
0x2: {  	[smem:$0x3F9F] =	sst lr;
	_ =	strace $0xD0000000  }
0x3: {  	_ = 	snop  }
0x4: {  	_ = 	snop  }
0x5: {  	_ = 	snop  }
0x6: {  	_ = 	snop  }
0x7: {  	_ = 	snop  }
__scs_overlays_trampoline_lowered:
0x8: {  	[smem:$0x3FAE] =	sst s0  }
0x9: {  	[smem:$0x3FAF] =	sst s1  }
0xa: {  	[smem:$0x3FB0] =	sst s2  }
0xb: {  	[smem:$0x3FB1] =	sst s3  }
0xc: {  	[smem:$0x3FB2] =	sst s4  }
0xd: {  	[smem:$0x3FB3] =	sst s5  }
0xe: {  	[smem:$0x3FB4] =	sst s6  }
0xf: {  	[smem:$0x3FB5] =	sst s7  }
0x10: {  	[smem:$0x3FB6] =	sst s8  }
0x11: {  	[smem:$0x3FB7] =	sst s9;
	s0 =	simm.s32 @!p0 $0x0  }
0x12: {  	s1 =	sld [smem:$0x3F9D];
	s0 =	simm.s32 @p0 $0x1  }
0x13: {  	[smem:$0x3FB8] =	sst s0;
	s0 =	simm.s32 @!p1 $0x0  }
0x14: {  	s2 =	sld [smem:$0x3F9C];
	s0 =	simm.s32 @p1 $0x1  }
0x15: {  	[smem:$0x3FB9] =	sst s0;
	s0 =	simm.s32 @!p2 $0x0  }
0x16: {  	s3 =	sld [smem:$0x3FDB];
	s0 =	simm.s32 @p2 $0x1  }
0x17: {  	s4 =	simm.s32 $0x1BF5;
	[smem:$0x3FBB] =	sst s0  }
0x18: {  	s0 =	sld [smem:$0x3F9E];
	_ =	swait.ge [sflag:s4], $0x0  }
0x19: {  	s7 =	sld [smem:$0x3F9F]  }
0x1a: {  	s8 =	sadd.s32 $0xFFFFE003, lr  }
0x1b: {  	s9 =	sadd.s32 $0xFFFFFEF7, lr;
	s5 =	simm.s32 $0xFFFFFFFF;
	p2 =	slt.u32 s8, $0xFFFFF086  }
0x1c: {  	p1 =	slt.u32 s9, $0xF7A;
	s5 =	simm.s32 @!p2 $0x0  }
0x1d: {  	s5 =	simm.s32 @p1 $0x1;
	p0 =	seq.s32 s7, s2  }
0x1e: {  	s7 =	smul.u32 @!p0 $0xF7A, s2;
	p2 =	seq.s32 @!p0 s5, $0x0  }
0x1f: {  	s9 =	smul.u32 $0xF7A, s1;
	s8 =	simm.s32 @!p0 $0x1BF5;
	p2 =	por !p2, p0  }
0x20: {  	[sflag:s8] =	ssyncset.s32 @!p0 $0xFFFFF086;
	s6 =	sadd.s32 @!p0 s3, s7;
	s7 =	simm.s32 @!p0 $0x108  }
0x21: {  	s3 =	sadd.s32 s3, s9;
	s6 =	sadd.s32 @!p0 $0x88, s6;
	s7 =	simm.s32 @p2 $0x1082  }
0x22: {  	[simem:s7], [sflag:s8] =	dma.local @!p0 [hbm:s6], $0xF7A  }
0x23: {  	s9 =	sor.u32 $0xD0000000, s2;
	s6 =	simm.s32 $0x108;
	_ =	swait.ge @!p0 [sflag:s8], $0x0  }
0x24: {  	s3 =	sadd.s32 $0x88, s3;
	s6 =	simm.s32 @!p1 $0x1082;
	[sflag:s4] =	ssyncset.s32 $0xFFFFF086  }
0x25: {  	[simem:s6], [sflag:s4] =	dma.local [hbm:s3], $0xF7A  }
0x26: {  	[smem:$0x3F9F] =	sst s1;
	(tag) =	ssettag s2;
	_ =	strace s9  }
0x27: {  	s1 =	sld [smem:$0x3FAF]  }
0x28: {  	s2 =	sld [smem:$0x3FB0]  }
0x29: {  	s4 =	sld [smem:$0x3FB2]  }
0x2a: {  	p0 =	seq.s32 s5, $0x0;
	s5 =	sld [smem:$0x3FB3]  }
0x2b: {  	s6 =	sld [smem:$0x3FB4]  }
0x2c: {  	s7 =	sld [smem:$0x3FB5]  }
0x2d: {  	s3 =	simm.s32 $0x108;
	s8 =	sld [smem:$0x3FB6]  }
0x2e: {  	s3 =	simm.s32 @!p0 $0x1082;
	s9 =	sld [smem:$0x3FB7]  }
0x2f: {  	lr =	sadd.s32 s0, s3;
	s0 =	sld [smem:$0x3FAE]  }
0x30: {  	s3 =	sld [smem:$0x3FB1]  }
0x31: {  	[smem:$0x3FBA] =	sst s10  }
0x32: {  	s10 =	sld [smem:$0x3FB8];
	_ =	sdelay $0x3  }
0x33: {  	p0 =	seq.s32 s10, $0x1;
	s10 =	sld [smem:$0x3FBA];
	_ =	sdelay $0x3  }
0x34: {  	[smem:$0x3FBA] =	sst s10  }
0x35: {  	s10 =	sld [smem:$0x3FB9];
	_ =	sdelay $0x3  }
0x36: {  	p1 =	seq.s32 s10, $0x1;
	s10 =	sld [smem:$0x3FBA];
	_ =	sdelay $0x3  }
0x37: {  	[smem:$0x3FBA] =	sst s10  }
0x38: {  	s10 =	sld [smem:$0x3FBB]  }
0x39: {  	_ = 	snop;
	(pc) =	sbr.ind lr, $3  }
0x3a: {  	_ = 	snop  }
0x3b: {  	_ = 	snop  }
0x3c: {  	p2 =	seq.s32 s10, $0x1;
	s10 =	sld [smem:$0x3FBA]  }
0x3d: {  	_ =	shalt  }
0x3e: {  	_ =	shalt  }
0x3f: {  	_ =	shalt  }
0x40: {  	_ =	shalt  }
0x41: {  	_ =	shalt  }
0x42: {  	_ =	shalt  }
0x43: {  	_ =	shalt  }
0x44: {  	_ =	shalt  }
0x45: {  	_ =	shalt  }
0x46: {  	_ =	shalt  }
0x47: {  	_ =	shalt  }
0x48: {  	_ =	shalt  }
0x49: {  	_ =	shalt  }
0x4a: {  	_ =	shalt  }
0x4b: {  	_ =	shalt  }
0x4c: {  	_ =	shalt  }
0x4d: {  	_ =	shalt  }
0x4e: {  	_ =	shalt  }
0x4f: {  	_ =	shalt  }
0x50: {  	_ =	shalt  }
0x51: {  	_ =	shalt  }
0x52: {  	_ =	shalt  }
0x53: {  	_ =	shalt  }
0x54: {  	_ =	shalt  }
0x55: {  	_ =	shalt  }
0x56: {  	_ =	shalt  }
0x57: {  	_ =	shalt  }
0x58: {  	_ =	shalt  }
0x59: {  	_ =	shalt  }
0x5a: {  	_ =	shalt  }
0x5b: {  	_ =	shalt  }
0x5c: {  	_ =	shalt  }
0x5d: {  	_ =	shalt  }
0x5e: {  	_ =	shalt  }
0x5f: {  	_ =	shalt  }
0x60: {  	_ =	shalt  }
0x61: {  	_ =	shalt  }
0x62: {  	_ =	shalt  }
0x63: {  	_ =	shalt  }
0x64: {  	_ =	shalt  }
0x65: {  	_ =	shalt  }
0x66: {  	_ =	shalt  }
0x67: {  	_ =	shalt  }
0x68: {  	_ =	shalt  }
0x69: {  	_ =	shalt  }
0x6a: {  	_ =	shalt  }
0x6b: {  	_ =	shalt  }
0x6c: {  	_ =	shalt  }
0x6d: {  	_ =	shalt  }
0x6e: {  	_ =	shalt  }
0x6f: {  	_ =	shalt  }
0x70: {  	_ =	shalt  }
0x71: {  	_ =	shalt  }
0x72: {  	_ =	shalt  }
0x73: {  	_ =	shalt  }
0x74: {  	_ =	shalt  }
0x75: {  	_ =	shalt  }
0x76: {  	_ =	shalt  }
0x77: {  	_ =	shalt  }
0x78: {  	_ =	shalt  }
0x79: {  	_ =	shalt  }
0x7a: {  	_ =	shalt  }
0x7b: {  	_ =	shalt  }
0x7c: {  	_ =	shalt  }
0x7d: {  	_ =	shalt  }
0x7e: {  	_ =	shalt  }
0x7f: {  	_ =	shalt  }
0x80: {  	_ =	shalt  }
0x81: {  	_ =	shalt  }
0x82: {  	_ =	shalt  }
0x83: {  	_ =	shalt  }
0x84: {  	_ =	shalt  }
0x85: {  	_ =	shalt  }
0x86: {  	_ =	shalt  }
0x87: {  	_ =	shalt  }
.Lfunc_end0:
.L_simem_size_0:
called_computation.5_lowered:
.L_overlay_start_0:
0x88: {  	s0 =	sld [smem:$0x3FD9]  }
0x89: {  	s1 =	sld [smem:$0x3FFE];
	_ =	sdelay $0x3  }
0x8a: {  	s0 =	sadd.s32 s1, s0  }
0x8b: {  	[smem:$0x3FC6] =	sst s0  }
0x8c: {  	_ = 	snop  }
0x8d: {  	(tm) =	ssettm $0x1  }
0x8e: {  	s15 =	sld [smem:$0x3FFB];
	_ =	sdelay $0x3  }
0x8f: {  	_ =	strace s15  }
0x90: {  	s0 =	sld [smem:$0x3FFC];
	_ =	sdelay $0x3  }
0x91: {  	_ =	strace s0  }
0x92: {  	s0 =	sld [smem:$0x3FFD];
	_ =	sdelay $0x3  }
0x93: {  	_ =	strace s0  }
0x94: {  	_ =	strace $0x8FFFFFFF  }
0x95: {  	s16 =	sld [smem:$0x3FDB];
	_ =	sdelay $0x1  }
0x96: {  	s17 =	simm.s32 $_scs_section_size  }
0x97: {  	s2 =	simm.s32 $_size__tile_overlayer_lowered;
	s3 =	simm.s32 $_tile_overlayer_lowered  }
0x98: {  	s20 =	simm.s32 $0x1BFF;
	s19 =	sshll.u32 s3, $0x1;
	s0 =	sadd.s32 s17, s16  }
0x99: {  	s4 =	simm.s32 $0x0;
	s18 =	sshll.u32 s2, $0x1;
	s2 =	sadd.s32 s19, s0  }
0x9a: {  	[timem:s4], [sflag:s20] =	dma.local [hbm:s2], s18  }
0x9b: {  	_ =	swait.ge [sflag:s20], s18  }
0x9c: {  	s1 =	ssub.s32 $0x0, s18;
	[sflag:s20] =	ssyncset.done $0x0  }
0x9d: {  	[sflag:s20] =	ssyncadd.s32 s1;
	_ =	sdelay $0x1  }
0x9e: {  	s21 =	simm.s32 $0x1B8B  }
0x9f: {  	_ =	swait.ge [sflag:s21], $0x1  }
0xa0: {  	[sflag:s21] =	ssyncset.done $0x0  }
0xa1: {  	s23 =	simm.s32 $0x1B8E;
	s22 =	sld [smem:$0x3FFE];
	[sflag:s21] =	ssyncadd.s32 $0xFFFFFFFF  }
0xa2: {  	s24 =	simm.s32 $execute0_lowered;
	[smem:$0x3FD2] =	sst s23  }
0xa3: {  	s2 =	sshll.u32 s24, $0x1;
	_ =	strace $0x80000052;
	[dreg:$0x1] =	wrdreg $0xFFFFFFFF  }
0xa4: {  	s25 =	simm.s32 $_size_execute0_lowered;
	s0 =	sadd.s32 s0, s2;
	[dreg:$0x0] =	wrdreg $0x0  }
0xa5: {  	s2 =	sshll.u32 s25, $0x1;
	[dreg:$0x2] =	wrdreg s0  }
0xa6: {  	[dreg:$0x3] =	wrdreg s2  }
0xa7: {  	[dreg:$0x4] =	wrdreg $0xC0  }
0xa8: {  	_ =	task [dreg:s4], $0x5FFFF  }
0xa9: {  	[dreg:$0x1] =	wrdreg $0xFFFFFFFF  }
0xaa: {  	[dreg:$0x0] =	wrdreg $0x60  }
0xab: {  	[dreg:$0x2] =	wrdreg s22  }
0xac: {  	[dreg:$0x3] =	wrdreg $0x9  }
0xad: {  	_ =	task.clear_ibuf [dreg:s4], $0x4FFFF;
	_ =	strace $0x90000052  }
0xae: {  	s26 =	simm.s32 $0x9;
	_ =	strace $0x80000054  }
0xaf: {  	_ =	swait.ge [sflag:s26], $0x1  }
0xb0: {  	[sflag:s26] =	ssyncadd.s32 $0xFFFFFFFF  }
0xb1: {  	_ =	strace $0x90000054  }
0xb2: {  	_ =	sfence  }
0xb3: {  	s28 =	sld [smem:$0x0];
	_ =	sdelay $0x1  }
0xb4: {  	s29 =	srdreg.scid  }
0xb5: {  	s30 =	sshll.u32 s29, $0xD;
	s31 =	sshrl.u32 s29, $0x2  }
0xb6: {  	s1 =	sand.u32 $0x1, s29;
	s2 =	sand.u32 $0x4000, s30;
	s0 =	sadd.s32 s31, s28  }
0xb7: {  	s1 =	sor.u32 s2, s1;
	s0 =	sshll.u32 s0, $0x11  }
0xb8: {  	s0 =	sor.u32 s0, s1  }
0xb9: {  	s0 =	sadd.s32 $0x8F2B, s0  }
0xba: {  	[sflag:s0] =	ssyncadd.remote.s32 $0x1  }
0xbb: {  	_ =	sfence.sel $0xFFFF  }
0xbc: {  	[dreg:$0x0] =	wrdreg $0xFFFFFFFF;
	(pc) =	sbr.abs _section_cstart, $3  }
0xbd: {  	[dreg:$0x1] =	wrdreg $0xFFFFFFFF  }
0xbe: {  	_ =	task.clear_ibuf [dreg:s4], $0x2FFFF;
	_ =	strace $0x9FFFFFFF  }
0xbf: {  	(tm) =	ssettm $0x7FFFFFFF  }
tec
execute0_lowered:
.L_overlay_start_1:
0x0: {  	(tag) =	ssettag $0x1  }
0x1: {  	s0 =	stileid.u32  }
0x2: {  	s3 =	simm.s32 $0x200;
	s7 =	rddreg [dreg:$0x0];
	s10 =	simm.s32 $0x1  }
0x3: {  	s6 =	simm.s32 $0x2;
	s1 =	smin.u32 s0, $0x8;
	p0 =	slt.u32 s0, $0x8  }
0x4: {  	s11 =	simm.s32 $0x4;
	s2 =	sshll.u32 s1, $0x9;
	s3 =	simm.s32 @!p0 $0x0  }
0x5: {  	s12 =	simm.s32 $0xFFFFF800;
	s13 =	simm.s32 $0xFFFFFE00;
	s1 =	sadd.s32 s3, s2  }
0x6: {  	s14 =	simm.s32 $0xFFFFFFFF;
	s18 =	simm.s32 $0x0;
	s3 =	smin.u32 s1, $0xFA0  }
0x7: {  	s15 =	simm.s32 $0x0;
	s17 =	simm.s32 $0x0;
	s9 =	ssub.s32 s3, s2  }
0x8: {  	s4 =	sadd.s32 $0xFA00, s7;
	s5 =	sadd.s32 $0xFC00, s7;
	p0 =	sgt.s32 s9, $0x0  }
0x9: {  	s1 =	rddreg [dreg:$0x1];
	_ =	strace $0x80000053;
	s9 =	simm.s32 @!p0 $0x0  }
.Ltmp0:
0xa: {  	[sflag:s10] =	ssyncpa.u1 $0x0;
	s8 =	sand.u32 $0x1A0, s9;
	(pc) =	sbr.rel .LBB2_1-.Ltmp0, $4  }
0xb: {  	s7 =	sadd.s32 $0xFE00, s7;
	[sflag:s6] =	ssyncpa.u1 $0x0;
	p0 =	sne.s32 s8, $0x0  }
0xc: {  	s9 =	sshrl.u32 s9, $0x9;
	s8 =	simm.s32 $0x3;
	s10 =	simm.s32 @!p0 $0x0  }
0xd: {  	s16 =	smov.u32 s2;
	[sflag:s8] =	ssyncpa.u1 $0x0;
	s9 =	sadd.s32 s10, s9  }
0xe: {  	v0 =	vlaneseq.u32;
	vm0 =	vmmov $0xffff;
	[sflag:s11] =	ssyncpa.u1 $0x0;
	s11 =	simm.s32 $0x0;
	s10 =	sadd.s32 $0x2, s9  }
.LBB2_7:
0xf: {  	p0 =	slt.u32 s17, $0x3  }
0x10: {  	s18 =	simm.s32 @!p0 $0x4  }
0x11: {  	_ =	swait.ge @!p0 [sflag:s18], $0x80  }
0x12: {  	s19 =	sadd.s32 $0x200, s16;
	[sflag:s18] =	ssyncset.done @!p0 $0x0  }
0x13: {  	s20 =	smov.u32 s2;
	[sflag:s18] =	ssyncadd.s32 @!p0 $0xFFFFFF80;
	p0 =	slt.s32 s19, s3  }
0x14: {  	s20 =	smov.u32 @p0 s19;
	p0 =	sne.s32 s17, s10  }
.Ltmp1:
0x15: {  	_ = 	snop;
	(pc) =	sbr.rel @!p0 .LBB2_8-.Ltmp1, $4  }
0x16: {  	_ = 	snop  }
0x17: {  	s31 =	sadd.s32 $0x1, s17;
	s12 =	sadd.s32 $0x800, s12  }
0x18: {  	s13 =	sadd.s32 $0x200, s13;
	s14 =	sadd.s32 $0x1, s14;
	s18 =	smov.u32 s15  }
0x19: {  	s15 =	smov.u32 s16;
	s17 =	smov.u32 s31;
	s16 =	smov.u32 s20  }
.LBB2_1:
0x1a: {  	p0 =	sge.u32 s17, s9  }
0x1b: {  	s19 =	smulhi.u32 @!p0 $0xAAAAAAAB, s17;
	_ =	sdelay $0x1  }
0x1c: {  	s19 =	sshrl.u32 @!p0 s19, $0x1  }
0x1d: {  	s19 =	smul.u32 @!p0 $0x3, s19;
	_ =	sdelay $0x1  }
0x1e: {  	s31 =	sadd.s32 $0xFFFFFFFF, s17;
	s20 =	sshrl.u32 @!p0 s16, $0x3;
	s19 =	ssub.s32 @!p0 s17, s19  }
0x1f: {  	s21 =	sand.u32 @!p0 $0x7, s16;
	s20 =	sadd.s32 @!p0 s5, s20;
	s19 =	sshll.u32 @!p0 s19, $0x9  }
0x20: {  	[tilespmem:s19], [sflag:$0x2] =	stream.linear.gather @!p0 [hbm4b:s20+s21], $0x200, $0x38;
	[tilespmem:$0xB00] =	vst v63  }
0x21: {  	p0 =	sge.u32 s31, s9  }
.Ltmp2:
0x22: {  	_ = 	snop;
	(pc) =	sbr.rel @p0 .LBB2_5-.Ltmp2, $1  }
0x23: {  	_ =	sdelay $0x3  }
0x24: {  	s19 =	smulhi.u32 $0xAAAAAAAB, s14;
	_ =	sdelay $0x1  }
0x25: {  	s19 =	sshrl.u32 s19, $0x1  }
0x26: {  	s19 =	smul.u32 $0xFFFFE800, s19;
	_ =	sdelay $0x1  }
0x27: {  	_ =	swait.ge [sflag:s6], $0x200;
	s19 =	sshra.s32 s19, $0x2  }
0x28: {  	[sflag:s6] =	ssyncset.done $0x0;
	s21 =	sadd.s32 s19, s13  }
0x29: {  	[sflag:s6] =	ssyncadd.s32 $0xFFFFFE00;
	(ifvalue) =	ssetifvalue $0x7FFFFFFF;
	v1 =	vld.msk [tilespmem:s21+$0x0 ss:$0x1], $0xffff;
	_ =	sdelay $0x2  }
0x2a: {  	s20 =	ssub.s32 $0xFA0, s15  }
0x2b: {  	p0 =	slt.s32 s20, $0x200  }
0x2c: {  	s20 =	simm.s32 @!p0 $0x200;
	vm1 =	veq.s32 v1, $0x80000000;
	v2 =	vand.u32 $0x3, v1;
	v1 =	vand.u32 $0xFFC, v1  }
0x2d: {  	p0 =	sgt.s32 s20, $0x0;
	s22 =	smov.u32 s20;
	s19 =	sadd.s32 $0x10, s21;
	v2 =	vsel vm1, $0xFFFFFFFF, v2;
	v1 =	vsel vm1, $0xFFFFFFFC, v1  }
0x2e: {  	s22 =	simm.s32 @!p0 $0x0;
	v3 =	vld.msk [tilespmem:s19+$0x0 ss:$0x1], $0xffff;
	v4 =	vand.u32 $0xFFFFF000, v2;
	v5 =	vand.u32 $0xFFFFFE00, v1  }
0x2f: {  	s22 =	smin.u32 s22, $0x10;
	v1 =	vand.u32 $0x1FC, v1;
	v4 =	vadd.s32 v5, v4  }
0x30: {  	v5 =	vmov s22;
	v1 =	vor.u32 v1, v4  }
0x31: {  	vm1 =	vgt.u32 v5, v0;
	v1 =	vshrl.u32 v1, $0x2  }
0x32: {  	v4 =	vnsel vm1, $0x7FFFFFFF, v1  }
0x33: {  	s31 =	sadd.s32 $0xFFFFFFF0, s20;
	vm1 =	veq.s32 v3, $0x80000000;
	v1 =	vand.u32 $0x3, v3;
	v3 =	vand.u32 $0xFFC, v3  }
0x34: {  	p0 =	sgt.s32 s31, $0x0;
	s23 =	smov.u32 s31;
	s20 =	sadd.s32 $0x10, s19;
	v1 =	vsel vm1, $0xFFFFFFFF, v1;
	v3 =	vsel vm1, $0xFFFFFFFC, v3  }
0x35: {  	s23 =	simm.s32 @!p0 $0x0;
	v5 =	vld.msk [tilespmem:s20+$0x0 ss:$0x1], $0xffff;
	v6 =	vand.u32 $0xFFFFF000, v1;
	v7 =	vand.u32 $0xFFFFFE00, v3  }
0x36: {  	s24 =	sshrl.u32 s12, $0x2;
	s23 =	smin.u32 s23, $0x10;
	v2 =	vand.u32 $0x3, v2;
	v3 =	vand.u32 $0x1FC, v3;
	v6 =	vadd.s32 v7, v6  }
0x37: {  	s24 =	sand.u32 $0x200, s24;
	[tilespmem:s21+$0x0] =	vst v2;
	v2 =	vmov s23;
	v3 =	vor.u32 v3, v6  }
0x38: {  	s21 =	sadd.s32 $0x600, s24;
	s23 =	simm.s32 $0x20;
	vm1 =	vgt.u32 v2, v0;
	v2 =	vshrl.u32 v3, $0x2  }
0x39: {  	s24 =	sadd.s32 $0x10, s20;
	s22 =	sadd.s32 $0xFFFFFFF0, s31;
	(ifvalue) =	ssetifvalue $0x7FFFFFFF;
	v2 =	vnsel vm1, $0x7FFFFFFF, v2  }
0x3a: {  	[tilespmem:s21], [sflag:$0x3] =	stream.indirect_vreg.gather [hbm4b:s4+s11], $0x1, v4, vm0, $0x4038;
	v3 =	vand.u32 $0x3, v5;
	v4 =	vand.u32 $0xFFC, v5;
	vm1 =	veq.s32 v5, $0x80000000;
	[tilespmem:$0xB00] =	vst v63  }
.LBB2_3:
0x3b: {  	v5 =	vld.msk [tilespmem:s24+$0x0 ss:$0x1], $0xffff;
	s23 =	sadd.s32 $0x10, s23;
	p1 =	sgt.s32 s22, $0x0;
	v3 =	vsel vm1, $0xFFFFFFFF, v3;
	v4 =	vsel vm1, $0xFFFFFFFC, v4;
	s25 =	smov.u32 s22  }
0x3c: {  	v8 =	vand.u32 $0x3, v1;
	s21 =	sadd.s32 $0x10, s21;
	p0 =	slt.u32 s23, $0x1F0;
	s25 =	simm.s32 @!p1 $0x0;
	v6 =	vand.u32 $0xFFFFF000, v3;
	v7 =	vand.u32 $0xFFFFFE00, v4;
	v1 =	vmovc v3  }
.Ltmp3:
0x3d: {  	v4 =	vand.u32 $0x1FC, v4;
	s25 =	smin.u32 s25, $0x10;
	v3 =	vadd.s32 v7, v6;
	[tilespmem:s19+$0x0] =	vst v8;
	(ifvalue) =	ssetifvalue $0x7FFFFFFF;
	(pc) =	sbr.rel @p0 .LBB2_3-.Ltmp3, $4  }
0x3e: {  	v6 =	vmov s25;
	v3 =	vor.u32 v4, v3;
	[tilespmem:s21], [sflag:$0x3] =	stream.indirect_vreg.gather [hbm4b:s4+s11], $0x1, v2, vm0, $0x4038;
	[tilespmem:$0xB00] =	vst v63  }
0x3f: {  	s19 =	smov.u32 s20;
	s20 =	smov.u32 s24;
	vm1 =	vgt.u32 v6, v0;
	v2 =	vshrl.u32 v3, $0x2  }
0x40: {  	v2 =	vnsel vm1, $0x7FFFFFFF, v2  }
0x41: {  	s22 =	sadd.s32 $0xFFFFFFF0, s22;
	s24 =	sadd.s32 $0x10, s24;
	vm1 =	veq.s32 v5, $0x80000000;
	v3 =	vand.u32 $0x3, v5;
	v4 =	vand.u32 $0xFFC, v5  }
0x42: {  	p0 =	sgt.s32 s22, $0x0;
	v3 =	vsel vm1, $0xFFFFFFFF, v3;
	v4 =	vsel vm1, $0xFFFFFFFC, v4  }
0x43: {  	s22 =	simm.s32 @!p0 $0x0;
	v5 =	vand.u32 $0xFFFFF000, v3;
	v6 =	vand.u32 $0xFFFFFE00, v4  }
0x44: {  	v4 =	vand.u32 $0x1FC, v4;
	s22 =	smin.u32 s22, $0x10;
	v5 =	vadd.s32 v6, v5  }
0x45: {  	v63 =	vmov s22;
	v4 =	vor.u32 v4, v5  }
0x46: {  	vm1 =	vgt.u32 v63, v0;
	v4 =	vshrl.u32 v4, $0x2  }
0x47: {  	v4 =	vnsel vm1, $0x7FFFFFFF, v4  }
0x48: {  	v1 =	vand.u32 $0x3, v1  }
0x49: {  	s31 =	sadd.s32 $0x10, s21;
	[tilespmem:s19+$0x0] =	vst v1;
	(ifvalue) =	ssetifvalue $0x7FFFFFFF  }
0x4a: {  	v1 =	vand.u32 $0x3, v3;
	[tilespmem:s31], [sflag:$0x3] =	stream.indirect_vreg.gather [hbm4b:s4+s11], $0x1, v2, vm0, $0x4038;
	[tilespmem:$0xB00] =	vst v63  }
0x4b: {  	s19 =	sadd.s32 $0x10, s31;
	[tilespmem:s20+$0x0] =	vst v1;
	(ifvalue) =	ssetifvalue $0x7FFFFFFF  }
0x4c: {  	[tilespmem:s19], [sflag:$0x3] =	stream.indirect_vreg.gather [hbm4b:s4+s11], $0x1, v4, vm0, $0x4038;
	[tilespmem:$0xB00] =	vst v63  }
.LBB2_5:
0x4d: {  	p0 =	slt.u32 s17, $0x2  }
0x4e: {  	p1 =	sge.u32 @!p0 s17, s10  }
0x4f: {  	p0 =	por p0, p1  }
.Ltmp4:
0x50: {  	_ = 	snop;
	(pc) =	sbr.rel @p0 .LBB2_7-.Ltmp4, $1  }
0x51: {  	_ =	sdelay $0x3  }
0x52: {  	s19 =	sadd.s32 $0xFFFFFFFE, s17  }
0x53: {  	s20 =	smulhi.u32 $0xAAAAAAAB, s19  }
0x54: {  	_ =	swait.ge [sflag:s8], $0x200  }
0x55: {  	s21 =	sand.u32 $0x1, s17;
	[sflag:s8] =	ssyncset.done $0x0;
	s20 =	sshrl.u32 s20, $0x1  }
0x56: {  	s28 =	sshll.u32 s21, $0x9;
	[sflag:s8] =	ssyncadd.s32 $0xFFFFFE00;
	s20 =	smul.u32 $0x3, s20  }
0x57: {  	v1 =	vld [tilespmem:s28+$0x600]  }
0x58: {  	v3 =	vld [tilespmem:s28+$0x680];
	s20 =	ssub.s32 s19, s20  }
0x59: {  	v6 =	vld [tilespmem:s28+$0x700];
	s20 =	sshll.u32 s20, $0x9  }
0x5a: {  	v2 =	vld [tilespmem:s20+$0x0]  }
0x5b: {  	v4 =	vld [tilespmem:s20+$0x80]  }
0x5c: {  	v5 =	vld [tilespmem:s20+$0x100]  }
0x5d: {  	v7 =	vld [tilespmem:s20+$0x180];
	_ =	sdelay $0x1  }
0x5e: {  	v8 =	vld [tilespmem:s28+$0x780]  }
0x5f: {  	v2 =	vshll.u32 v2, $0x3;
	v4 =	vshll.u32 v4, $0x3  }
0x60: {  	v1 =	vshrl.u32 v1, v2;
	v2 =	vshrl.u32 v3, v4;
	v3 =	vshll.u32 v5, $0x3  }
0x61: {  	v21 =	vshll.u32 v7, $0x3;
	v2 =	vshll.u32 v2, $0x8;
	v3 =	vshrl.u32 v6, v3  }
0x62: {  	v1 =	vand.u32 $0xFF, v1;
	v2 =	vand.u32 $0xFF00, v2;
	v3 =	vshll.u32 v3, $0x10  }
0x63: {  	v1 =	vor.u32 v1, v2;
	v2 =	vand.u32 $0xFF0000, v3;
	v3 =	vshrl.u32 v8, v21  }
0x64: {  	v1 =	vor.u32 v2, v1;
	v2 =	vshll.u32 v3, $0x18  }
0x65: {  	s21 =	sshll.u32 s21, $0x7;
	v1 =	vor.u32 v2, v1  }
0x66: {  	[tilespmem:s21+$0xA00] =	vst v1  }
0x67: {  	v1 =	vld [tilespmem:s28+$0x610]  }
0x68: {  	v2 =	vld [tilespmem:s20+$0x10]  }
0x69: {  	v3 =	vld [tilespmem:s28+$0x690]  }
0x6a: {  	v22 =	vld [tilespmem:s20+$0x90]  }
0x6b: {  	v23 =	vld [tilespmem:s20+$0x110]  }
0x6c: {  	v24 =	vld [tilespmem:s28+$0x710]  }
0x6d: {  	v25 =	vld [tilespmem:s20+$0x190];
	_ =	sdelay $0x1  }
0x6e: {  	v26 =	vld [tilespmem:s28+$0x790]  }
0x6f: {  	v2 =	vshll.u32 v2, $0x3;
	v4 =	vshll.u32 v22, $0x3  }
0x70: {  	v1 =	vshrl.u32 v1, v2;
	v2 =	vshrl.u32 v3, v4;
	v3 =	vshll.u32 v23, $0x3  }
0x71: {  	v27 =	vshll.u32 v25, $0x3;
	v2 =	vshll.u32 v2, $0x8;
	v3 =	vshrl.u32 v24, v3  }
0x72: {  	v1 =	vand.u32 $0xFF, v1;
	v2 =	vand.u32 $0xFF00, v2;
	v3 =	vshll.u32 v3, $0x10  }
0x73: {  	v1 =	vor.u32 v1, v2;
	v2 =	vand.u32 $0xFF0000, v3;
	v3 =	vshrl.u32 v26, v27  }
0x74: {  	v1 =	vor.u32 v2, v1;
	v2 =	vshll.u32 v3, $0x18  }
0x75: {  	v1 =	vor.u32 v2, v1  }
0x76: {  	[tilespmem:s21+$0xA10] =	vst v1  }
0x77: {  	v1 =	vld [tilespmem:s28+$0x620]  }
0x78: {  	v2 =	vld [tilespmem:s20+$0x20]  }
0x79: {  	v3 =	vld [tilespmem:s28+$0x6A0]  }
0x7a: {  	v28 =	vld [tilespmem:s20+$0xA0]  }
0x7b: {  	v29 =	vld [tilespmem:s20+$0x120]  }
0x7c: {  	v30 =	vld [tilespmem:s28+$0x720]  }
0x7d: {  	v31 =	vld [tilespmem:s20+$0x1A0];
	_ =	sdelay $0x1  }
0x7e: {  	v32 =	vld [tilespmem:s28+$0x7A0]  }
0x7f: {  	v2 =	vshll.u32 v2, $0x3;
	v4 =	vshll.u32 v28, $0x3  }
0x80: {  	v1 =	vshrl.u32 v1, v2;
	v2 =	vshrl.u32 v3, v4;
	v3 =	vshll.u32 v29, $0x3  }
0x81: {  	v33 =	vshll.u32 v31, $0x3;
	v2 =	vshll.u32 v2, $0x8;
	v3 =	vshrl.u32 v30, v3  }
0x82: {  	v1 =	vand.u32 $0xFF, v1;
	v2 =	vand.u32 $0xFF00, v2;
	v3 =	vshll.u32 v3, $0x10  }
0x83: {  	v1 =	vor.u32 v1, v2;
	v2 =	vand.u32 $0xFF0000, v3;
	v3 =	vshrl.u32 v32, v33  }
0x84: {  	v1 =	vor.u32 v2, v1;
	v2 =	vshll.u32 v3, $0x18  }
0x85: {  	v1 =	vor.u32 v2, v1  }
0x86: {  	[tilespmem:s21+$0xA20] =	vst v1  }
0x87: {  	v1 =	vld [tilespmem:s28+$0x630]  }
0x88: {  	v2 =	vld [tilespmem:s20+$0x30]  }
0x89: {  	v3 =	vld [tilespmem:s28+$0x6B0]  }
0x8a: {  	v34 =	vld [tilespmem:s20+$0xB0]  }
0x8b: {  	v35 =	vld [tilespmem:s20+$0x130]  }
0x8c: {  	v36 =	vld [tilespmem:s28+$0x730]  }
0x8d: {  	v37 =	vld [tilespmem:s20+$0x1B0];
	_ =	sdelay $0x1  }
0x8e: {  	v38 =	vld [tilespmem:s28+$0x7B0]  }
0x8f: {  	v2 =	vshll.u32 v2, $0x3;
	v4 =	vshll.u32 v34, $0x3  }
0x90: {  	v1 =	vshrl.u32 v1, v2;
	v2 =	vshrl.u32 v3, v4;
	v3 =	vshll.u32 v35, $0x3  }
0x91: {  	v39 =	vshll.u32 v37, $0x3;
	v2 =	vshll.u32 v2, $0x8;
	v3 =	vshrl.u32 v36, v3  }
0x92: {  	v1 =	vand.u32 $0xFF, v1;
	v2 =	vand.u32 $0xFF00, v2;
	v3 =	vshll.u32 v3, $0x10  }
0x93: {  	v1 =	vor.u32 v1, v2;
	v2 =	vand.u32 $0xFF0000, v3;
	v3 =	vshrl.u32 v38, v39  }
0x94: {  	v1 =	vor.u32 v2, v1;
	v2 =	vshll.u32 v3, $0x18  }
0x95: {  	v1 =	vor.u32 v2, v1  }
0x96: {  	[tilespmem:s21+$0xA30] =	vst v1  }
0x97: {  	v1 =	vld [tilespmem:s28+$0x640]  }
0x98: {  	v2 =	vld [tilespmem:s20+$0x40]  }
0x99: {  	v3 =	vld [tilespmem:s28+$0x6C0]  }
0x9a: {  	v40 =	vld [tilespmem:s20+$0xC0]  }
0x9b: {  	v41 =	vld [tilespmem:s20+$0x140]  }
0x9c: {  	v42 =	vld [tilespmem:s28+$0x740]  }
0x9d: {  	v43 =	vld [tilespmem:s20+$0x1C0];
	_ =	sdelay $0x1  }
0x9e: {  	v44 =	vld [tilespmem:s28+$0x7C0]  }
0x9f: {  	v2 =	vshll.u32 v2, $0x3;
	v4 =	vshll.u32 v40, $0x3  }
0xa0: {  	v1 =	vshrl.u32 v1, v2;
	v2 =	vshrl.u32 v3, v4;
	v3 =	vshll.u32 v41, $0x3  }
0xa1: {  	v45 =	vshll.u32 v43, $0x3;
	v2 =	vshll.u32 v2, $0x8;
	v3 =	vshrl.u32 v42, v3  }
0xa2: {  	v1 =	vand.u32 $0xFF, v1;
	v2 =	vand.u32 $0xFF00, v2;
	v3 =	vshll.u32 v3, $0x10  }
0xa3: {  	v1 =	vor.u32 v1, v2;
	v2 =	vand.u32 $0xFF0000, v3;
	v3 =	vshrl.u32 v44, v45  }
0xa4: {  	v1 =	vor.u32 v2, v1;
	v2 =	vshll.u32 v3, $0x18  }
0xa5: {  	v1 =	vor.u32 v2, v1  }
0xa6: {  	[tilespmem:s21+$0xA40] =	vst v1  }
0xa7: {  	v1 =	vld [tilespmem:s28+$0x650]  }
0xa8: {  	v2 =	vld [tilespmem:s20+$0x50]  }
0xa9: {  	v3 =	vld [tilespmem:s28+$0x6D0]  }
0xaa: {  	v46 =	vld [tilespmem:s20+$0xD0]  }
0xab: {  	v47 =	vld [tilespmem:s20+$0x150]  }
0xac: {  	v48 =	vld [tilespmem:s28+$0x750]  }
0xad: {  	v49 =	vld [tilespmem:s20+$0x1D0];
	_ =	sdelay $0x1  }
0xae: {  	v50 =	vld [tilespmem:s28+$0x7D0]  }
0xaf: {  	v2 =	vshll.u32 v2, $0x3;
	v4 =	vshll.u32 v46, $0x3  }
0xb0: {  	v1 =	vshrl.u32 v1, v2;
	v2 =	vshrl.u32 v3, v4;
	v3 =	vshll.u32 v47, $0x3  }
0xb1: {  	v51 =	vshll.u32 v49, $0x3;
	v2 =	vshll.u32 v2, $0x8;
	v3 =	vshrl.u32 v48, v3  }
0xb2: {  	v1 =	vand.u32 $0xFF, v1;
	v2 =	vand.u32 $0xFF00, v2;
	v3 =	vshll.u32 v3, $0x10  }
0xb3: {  	v1 =	vor.u32 v1, v2;
	v2 =	vand.u32 $0xFF0000, v3;
	v3 =	vshrl.u32 v50, v51  }
0xb4: {  	v1 =	vor.u32 v2, v1;
	v2 =	vshll.u32 v3, $0x18  }
0xb5: {  	v1 =	vor.u32 v2, v1  }
0xb6: {  	[tilespmem:s21+$0xA50] =	vst v1  }
0xb7: {  	v1 =	vld [tilespmem:s28+$0x660]  }
0xb8: {  	v2 =	vld [tilespmem:s20+$0x60]  }
0xb9: {  	v3 =	vld [tilespmem:s28+$0x6E0]  }
0xba: {  	v52 =	vld [tilespmem:s20+$0xE0]  }
0xbb: {  	v53 =	vld [tilespmem:s20+$0x160]  }
0xbc: {  	v54 =	vld [tilespmem:s28+$0x760]  }
0xbd: {  	v55 =	vld [tilespmem:s20+$0x1E0];
	_ =	sdelay $0x1  }
0xbe: {  	v56 =	vld [tilespmem:s28+$0x7E0]  }
0xbf: {  	v2 =	vshll.u32 v2, $0x3;
	v4 =	vshll.u32 v52, $0x3  }
0xc0: {  	v1 =	vshrl.u32 v1, v2;
	v2 =	vshrl.u32 v3, v4;
	v3 =	vshll.u32 v53, $0x3  }
0xc1: {  	v57 =	vshll.u32 v55, $0x3;
	v2 =	vshll.u32 v2, $0x8;
	v3 =	vshrl.u32 v54, v3  }
0xc2: {  	v1 =	vand.u32 $0xFF, v1;
	v2 =	vand.u32 $0xFF00, v2;
	v3 =	vshll.u32 v3, $0x10  }
0xc3: {  	v1 =	vor.u32 v1, v2;
	v2 =	vand.u32 $0xFF0000, v3;
	v3 =	vshrl.u32 v56, v57  }
0xc4: {  	v1 =	vor.u32 v2, v1;
	v2 =	vshll.u32 v3, $0x18  }
0xc5: {  	v1 =	vor.u32 v2, v1  }
0xc6: {  	[tilespmem:s21+$0xA60] =	vst v1  }
0xc7: {  	v1 =	vld [tilespmem:s28+$0x670]  }
0xc8: {  	v2 =	vld [tilespmem:s20+$0x70]  }
0xc9: {  	v3 =	vld [tilespmem:s28+$0x6F0]  }
0xca: {  	v58 =	vld [tilespmem:s20+$0xF0]  }
0xcb: {  	v59 =	vld [tilespmem:s20+$0x170]  }
0xcc: {  	v60 =	vld [tilespmem:s28+$0x770]  }
0xcd: {  	v61 =	vld [tilespmem:s20+$0x1F0];
	_ =	sdelay $0x1  }
0xce: {  	v62 =	vld [tilespmem:s28+$0x7F0]  }
0xcf: {  	v2 =	vshll.u32 v2, $0x3;
	v4 =	vshll.u32 v58, $0x3  }
0xd0: {  	v1 =	vshrl.u32 v1, v2;
	v2 =	vshrl.u32 v3, v4;
	v3 =	vshll.u32 v59, $0x3  }
0xd1: {  	v63 =	vshll.u32 v61, $0x3;
	v3 =	vshrl.u32 v60, v3;
	v2 =	vshll.u32 v2, $0x8  }
0xd2: {  	v1 =	vand.u32 $0xFF, v1;
	v2 =	vand.u32 $0xFF00, v2;
	v3 =	vshll.u32 v3, $0x10  }
.Ltmp5:
0xd3: {  	v1 =	vor.u32 v1, v2;
	v2 =	vshrl.u32 v62, v63;
	v3 =	vand.u32 $0xFF0000, v3;
	(pc) =	sbr.rel .LBB2_7-.Ltmp5, $4  }
0xd4: {  	v1 =	vor.u32 v3, v1;
	v2 =	vshll.u32 v2, $0x18  }
0xd5: {  	s29 =	sshrl.u32 s18, $0x2;
	s30 =	sshrl.u32 s18, $0x5;
	v1 =	vor.u32 v2, v1  }
0xd6: {  	s18 =	sadd.s32 s30, s7;
	s31 =	sor.u32 $0xA00, s21;
	s19 =	sand.u32 $0x7, s29;
	[tilespmem:s21+$0xA70] =	vst v1  }
0xd7: {  	[hbm4b:s18+s19] =	stream.linear.scatter [tilespmem:s31], [sflag:$0x4], $0x80, $0x38;
	[tilespmem:$0xB00] =	vst v63  }
.LBB2_8:
0xd8: {  	_ =	sfence.sel $0x180000  }
0xd9: {  	s2 =	simm.s32 $0x2;
	[bflag:$0x0] =	sbarrier.arrive $0xFFFF  }
0xda: {  	s29 =	simm.s32 $0x3;
	[sflag:s2] =	ssyncpa.u1 $0x1  }
0xdb: {  	s30 =	simm.s32 $0x4;
	[sflag:s29] =	ssyncpa.u1 $0x1  }
0xdc: {  	s31 =	simm.s32 $0x1;
	[sflag:s30] =	ssyncpa.u1 $0x1  }
0xdd: {  	[sflag:s31] =	ssyncpa.u1 $0x1  }
0xde: {  	p0 =	sne.s32 s0, $0x0;
	_ =	strace $0x90000053  }
0xdf: {  	s0 =	sadd.s32 @!p0 $0x100000, s1;
	[bflag:$0x2] =	sbarrier.arrive $0xFFFF  }
0xe0: {  	[sflag:s0] =	ssyncadd.tile.s32 @!p0 $0x1;
	_ =	shalt  }
.Lfunc_end2:
_tile_overlayer_lowered:
.L_overlay_start_2:
0xe1: {  	(tag) =	ssettag $0x2  }
0xe2: {  	s0 =	rddreg [dreg:$0x0];
	s2 =	stileid.u32  }
0xe3: {  	s1 =	rddreg [dreg:$0x1];
	p0 =	sne.s32 s2, $0x0  }
0xe4: {  	s3 =	rddreg [dreg:$0x2];
	[bflag:$0x3] =	sbarrier.arrive $0xFFFF;
	s2 =	simm.s32 @!p0 $0x1C01  }
0xe5: {  	[timem:s3], [sflag:s2] =	dma.local @!p0 [hbm:s0], s1  }
0xe6: {  	s0 =	simm.s32 @!p0 $0x1  }
0xe7: {  	_ =	swait.ge @!p0 [sflag:s0], s1  }
0xe8: {  	s1 =	ssub.s32 @!p0 $0x0, s1;
	[sflag:s0] =	ssyncset.done @!p0 $0x0  }
0xe9: {  	[sflag:s0] =	ssyncadd.s32 @!p0 s1  }
0xea: {  	[bflag:$0x3] =	sbarrier.arrive $0xFFFF  }
0xeb: {  	_ =	shalt  }

// kernel: gather_offload_async_start.6
scs
__scs_entry_jumppad:
0x0: {  	(pc) =	sbr.rel $0x88, $3  }
0x1: {  	(tag) =	ssettag $0x0;
	lr =	simm.s32 $0x1  }
0x2: {  	[smem:$0x3F9F] =	sst lr;
	_ =	strace $0xD0000000  }
0x3: {  	_ = 	snop  }
0x4: {  	_ = 	snop  }
0x5: {  	_ = 	snop  }
0x6: {  	_ = 	snop  }
0x7: {  	_ = 	snop  }
__scs_overlays_trampoline_lowered:
0x8: {  	[smem:$0x3FAE] =	sst s0  }
0x9: {  	[smem:$0x3FAF] =	sst s1  }
0xa: {  	[smem:$0x3FB0] =	sst s2  }
0xb: {  	[smem:$0x3FB1] =	sst s3  }
0xc: {  	[smem:$0x3FB2] =	sst s4  }
0xd: {  	[smem:$0x3FB3] =	sst s5  }
0xe: {  	[smem:$0x3FB4] =	sst s6  }
0xf: {  	[smem:$0x3FB5] =	sst s7  }
0x10: {  	[smem:$0x3FB6] =	sst s8  }
0x11: {  	[smem:$0x3FB7] =	sst s9;
	s0 =	simm.s32 @!p0 $0x0  }
0x12: {  	s1 =	sld [smem:$0x3F9D];
	s0 =	simm.s32 @p0 $0x1  }
0x13: {  	[smem:$0x3FB8] =	sst s0;
	s0 =	simm.s32 @!p1 $0x0  }
0x14: {  	s2 =	sld [smem:$0x3F9C];
	s0 =	simm.s32 @p1 $0x1  }
0x15: {  	[smem:$0x3FB9] =	sst s0;
	s0 =	simm.s32 @!p2 $0x0  }
0x16: {  	s3 =	sld [smem:$0x3FDB];
	s0 =	simm.s32 @p2 $0x1  }
0x17: {  	s4 =	simm.s32 $0x1BF5;
	[smem:$0x3FBB] =	sst s0  }
0x18: {  	s0 =	sld [smem:$0x3F9E];
	_ =	swait.ge [sflag:s4], $0x0  }
0x19: {  	s7 =	sld [smem:$0x3F9F]  }
0x1a: {  	s8 =	sadd.s32 $0xFFFFE003, lr  }
0x1b: {  	s9 =	sadd.s32 $0xFFFFFEF7, lr;
	s5 =	simm.s32 $0xFFFFFFFF;
	p2 =	slt.u32 s8, $0xFFFFF086  }
0x1c: {  	p1 =	slt.u32 s9, $0xF7A;
	s5 =	simm.s32 @!p2 $0x0  }
0x1d: {  	s5 =	simm.s32 @p1 $0x1;
	p0 =	seq.s32 s7, s2  }
0x1e: {  	s7 =	smul.u32 @!p0 $0xF7A, s2;
	p2 =	seq.s32 @!p0 s5, $0x0  }
0x1f: {  	s9 =	smul.u32 $0xF7A, s1;
	s8 =	simm.s32 @!p0 $0x1BF5;
	p2 =	por !p2, p0  }
0x20: {  	[sflag:s8] =	ssyncset.s32 @!p0 $0xFFFFF086;
	s6 =	sadd.s32 @!p0 s3, s7;
	s7 =	simm.s32 @!p0 $0x108  }
0x21: {  	s3 =	sadd.s32 s3, s9;
	s6 =	sadd.s32 @!p0 $0x88, s6;
	s7 =	simm.s32 @p2 $0x1082  }
0x22: {  	[simem:s7], [sflag:s8] =	dma.local @!p0 [hbm:s6], $0xF7A  }
0x23: {  	s9 =	sor.u32 $0xD0000000, s2;
	s6 =	simm.s32 $0x108;
	_ =	swait.ge @!p0 [sflag:s8], $0x0  }
0x24: {  	s3 =	sadd.s32 $0x88, s3;
	s6 =	simm.s32 @!p1 $0x1082;
	[sflag:s4] =	ssyncset.s32 $0xFFFFF086  }
0x25: {  	[simem:s6], [sflag:s4] =	dma.local [hbm:s3], $0xF7A  }
0x26: {  	[smem:$0x3F9F] =	sst s1;
	(tag) =	ssettag s2;
	_ =	strace s9  }
0x27: {  	s1 =	sld [smem:$0x3FAF]  }
0x28: {  	s2 =	sld [smem:$0x3FB0]  }
0x29: {  	s4 =	sld [smem:$0x3FB2]  }
0x2a: {  	p0 =	seq.s32 s5, $0x0;
	s5 =	sld [smem:$0x3FB3]  }
0x2b: {  	s6 =	sld [smem:$0x3FB4]  }
0x2c: {  	s7 =	sld [smem:$0x3FB5]  }
0x2d: {  	s3 =	simm.s32 $0x108;
	s8 =	sld [smem:$0x3FB6]  }
0x2e: {  	s3 =	simm.s32 @!p0 $0x1082;
	s9 =	sld [smem:$0x3FB7]  }
0x2f: {  	lr =	sadd.s32 s0, s3;
	s0 =	sld [smem:$0x3FAE]  }
0x30: {  	s3 =	sld [smem:$0x3FB1]  }
0x31: {  	[smem:$0x3FBA] =	sst s10  }
0x32: {  	s10 =	sld [smem:$0x3FB8];
	_ =	sdelay $0x3  }
0x33: {  	p0 =	seq.s32 s10, $0x1;
	s10 =	sld [smem:$0x3FBA];
	_ =	sdelay $0x3  }
0x34: {  	[smem:$0x3FBA] =	sst s10  }
0x35: {  	s10 =	sld [smem:$0x3FB9];
	_ =	sdelay $0x3  }
0x36: {  	p1 =	seq.s32 s10, $0x1;
	s10 =	sld [smem:$0x3FBA];
	_ =	sdelay $0x3  }
0x37: {  	[smem:$0x3FBA] =	sst s10  }
0x38: {  	s10 =	sld [smem:$0x3FBB]  }
0x39: {  	_ = 	snop;
	(pc) =	sbr.ind lr, $3  }
0x3a: {  	_ = 	snop  }
0x3b: {  	_ = 	snop  }
0x3c: {  	p2 =	seq.s32 s10, $0x1;
	s10 =	sld [smem:$0x3FBA]  }
0x3d: {  	_ =	shalt  }
0x3e: {  	_ =	shalt  }
0x3f: {  	_ =	shalt  }
0x40: {  	_ =	shalt  }
0x41: {  	_ =	shalt  }
0x42: {  	_ =	shalt  }
0x43: {  	_ =	shalt  }
0x44: {  	_ =	shalt  }
0x45: {  	_ =	shalt  }
0x46: {  	_ =	shalt  }
0x47: {  	_ =	shalt  }
0x48: {  	_ =	shalt  }
0x49: {  	_ =	shalt  }
0x4a: {  	_ =	shalt  }
0x4b: {  	_ =	shalt  }
0x4c: {  	_ =	shalt  }
0x4d: {  	_ =	shalt  }
0x4e: {  	_ =	shalt  }
0x4f: {  	_ =	shalt  }
0x50: {  	_ =	shalt  }
0x51: {  	_ =	shalt  }
0x52: {  	_ =	shalt  }
0x53: {  	_ =	shalt  }
0x54: {  	_ =	shalt  }
0x55: {  	_ =	shalt  }
0x56: {  	_ =	shalt  }
0x57: {  	_ =	shalt  }
0x58: {  	_ =	shalt  }
0x59: {  	_ =	shalt  }
0x5a: {  	_ =	shalt  }
0x5b: {  	_ =	shalt  }
0x5c: {  	_ =	shalt  }
0x5d: {  	_ =	shalt  }
0x5e: {  	_ =	shalt  }
0x5f: {  	_ =	shalt  }
0x60: {  	_ =	shalt  }
0x61: {  	_ =	shalt  }
0x62: {  	_ =	shalt  }
0x63: {  	_ =	shalt  }
0x64: {  	_ =	shalt  }
0x65: {  	_ =	shalt  }
0x66: {  	_ =	shalt  }
0x67: {  	_ =	shalt  }
0x68: {  	_ =	shalt  }
0x69: {  	_ =	shalt  }
0x6a: {  	_ =	shalt  }
0x6b: {  	_ =	shalt  }
0x6c: {  	_ =	shalt  }
0x6d: {  	_ =	shalt  }
0x6e: {  	_ =	shalt  }
0x6f: {  	_ =	shalt  }
0x70: {  	_ =	shalt  }
0x71: {  	_ =	shalt  }
0x72: {  	_ =	shalt  }
0x73: {  	_ =	shalt  }
0x74: {  	_ =	shalt  }
0x75: {  	_ =	shalt  }
0x76: {  	_ =	shalt  }
0x77: {  	_ =	shalt  }
0x78: {  	_ =	shalt  }
0x79: {  	_ =	shalt  }
0x7a: {  	_ =	shalt  }
0x7b: {  	_ =	shalt  }
0x7c: {  	_ =	shalt  }
0x7d: {  	_ =	shalt  }
0x7e: {  	_ =	shalt  }
0x7f: {  	_ =	shalt  }
0x80: {  	_ =	shalt  }
0x81: {  	_ =	shalt  }
0x82: {  	_ =	shalt  }
0x83: {  	_ =	shalt  }
0x84: {  	_ =	shalt  }
0x85: {  	_ =	shalt  }
0x86: {  	_ =	shalt  }
0x87: {  	_ =	shalt  }
.Lfunc_end0:
.L_simem_size_0:
called_computation.6_lowered:
.L_overlay_start_0:
0x88: {  	s2 =	sld [smem:$0x3FD9]  }
0x89: {  	s3 =	sld [smem:$0x3FFE];
	_ =	sdelay $0x1  }
0x8a: {  	s1 =	srdreg.scid  }
0x8b: {  	s0 =	sand.u32 $0x1, s1  }
0x8c: {  	s15 =	sshll.u32 s0, $0xA;
	s2 =	sadd.s32 s3, s2  }
0x8d: {  	s2 =	sadd.s32 s2, s15  }
0x8e: {  	[smem:$0x3FC6] =	sst s2  }
0x8f: {  	_ = 	snop  }
0x90: {  	s2 =	sld [smem:$0x3FD0];
	_ =	sdelay $0x2  }
0x91: {  	s16 =	simm.s32 $0xB;
	s4 =	simm.s32 $0x10  }
0x92: {  	[smem:s4], [sflag:s16] =	dma.local [hbm:s2], $0x1  }
0x93: {  	_ =	swait.eq [sflag:s16], $0x1  }
0x94: {  	[sflag:s16] =	ssyncset.done $0x0  }
0x95: {  	[sflag:s16] =	ssyncadd.s32 $0xFFFFFFFF  }
0x96: {  	s17 =	sld [smem:$0x11];
	(tm) =	ssettm $0x1  }
0x97: {  	s18 =	sld [smem:$0x3FFB];
	_ =	sdelay $0x3  }
0x98: {  	_ =	strace s18  }
0x99: {  	s2 =	sld [smem:$0x3FFC];
	_ =	sdelay $0x3  }
0x9a: {  	_ =	strace s2  }
0x9b: {  	s2 =	sld [smem:$0x3FFD];
	_ =	sdelay $0x3  }
0x9c: {  	_ =	strace s2  }
0x9d: {  	_ =	strace $0x8FFFFFFF  }
0x9e: {  	s19 =	sld [smem:$0x3FDB];
	_ =	sdelay $0x1  }
0x9f: {  	s20 =	simm.s32 $_scs_section_size  }
0xa0: {  	s5 =	simm.s32 $_size__tile_overlayer_lowered;
	s6 =	simm.s32 $_tile_overlayer_lowered  }
0xa1: {  	s7 =	simm.s32 $0x1BFF;
	s21 =	sshll.u32 s6, $0x1;
	s4 =	sadd.s32 s20, s19  }
0xa2: {  	s22 =	simm.s32 $0x0;
	s5 =	sshll.u32 s5, $0x1;
	s6 =	sadd.s32 s21, s4  }
0xa3: {  	[timem:s22], [sflag:s7] =	dma.local [hbm:s6], s5  }
0xa4: {  	_ =	swait.ge [sflag:s7], s5  }
0xa5: {  	s5 =	ssub.s32 $0x0, s5;
	[sflag:s7] =	ssyncset.done $0x0  }
0xa6: {  	[sflag:s7] =	ssyncadd.s32 s5;
	_ =	sdelay $0x1  }
0xa7: {  	s23 =	simm.s32 $0x1B8B  }
0xa8: {  	_ =	swait.ge [sflag:s23], $0x1  }
0xa9: {  	[sflag:s23] =	ssyncset.done $0x0  }
0xaa: {  	[sflag:s23] =	ssyncadd.s32 $0xFFFFFFFF  }
0xab: {  	s5 =	sld [smem:$0x0]  }
0xac: {  	s6 =	sand.u32 $0xFFFFFFFE, s1  }
0xad: {  	p0 =	sne.s32 s1, s6  }
0xae: {  	s6 =	sshll.u32 @p0 s6, $0xE  }
0xaf: {  	s6 =	sadd.s32 @p0 $0x11B8D, s6;
	s7 =	sshll.u32 @p0 s5, $0x11  }
0xb0: {  	s6 =	sor.u32 @p0 s7, s6  }
0xb1: {  	[sflag:s6] =	ssyncadd.remote.s32 @p0 $0x1;
	_ =	sdelay $0x1  }
0xb2: {  	s6 =	simm.s32 @p0 $0x1B8D  }
0xb3: {  	_ =	swait.eq @p0 [sflag:s6], $0x1  }
0xb4: {  	[sflag:s6] =	ssyncadd.s32 @p0 $0xFFFFFFFF  }
0xb5: {  	s7 =	sshll.u32 @!p0 s1, $0xE  }
0xb6: {  	s7 =	sor.u32 @!p0 $0x4000, s7;
	s6 =	simm.s32 @!p0 $0x1B8D  }
0xb7: {  	s5 =	sshll.u32 @!p0 s5, $0x11;
	s7 =	sadd.s32 @!p0 $0x11B8D, s7;
	_ =	swait.eq @!p0 [sflag:s6], $0x1  }
0xb8: {  	s5 =	sor.u32 @!p0 s5, s7;
	[sflag:s6] =	ssyncadd.s32 @!p0 $0xFFFFFFFF  }
0xb9: {  	s25 =	simm.s32 $0x1B8E;
	s24 =	sld [smem:$0x3FFE];
	[sflag:s5] =	ssyncadd.remote.s32 @!p0 $0x1  }
0xba: {  	s26 =	simm.s32 $execute0_lowered;
	[smem:$0x3FD2] =	sst s25  }
0xbb: {  	s6 =	sshll.u32 s26, $0x1;
	_ =	strace $0x80000055;
	[dreg:$0x1] =	wrdreg $0xFFFFFFFF  }
0xbc: {  	s28 =	simm.s32 $_size_execute0_lowered;
	s4 =	sadd.s32 s4, s6;
	[dreg:$0x0] =	wrdreg $0x0  }
0xbd: {  	s6 =	sshll.u32 s28, $0x1;
	[dreg:$0x2] =	wrdreg s4  }
0xbe: {  	[dreg:$0x3] =	wrdreg s6  }
0xbf: {  	[dreg:$0x4] =	wrdreg $0xC0  }
0xc0: {  	_ =	task [dreg:s22], $0x5FFFF  }
0xc1: {  	[dreg:$0x1] =	wrdreg $0xFFFFFFFF  }
0xc2: {  	[dreg:$0x0] =	wrdreg $0x60  }
0xc3: {  	[dreg:$0x2] =	wrdreg s17  }
0xc4: {  	[dreg:$0x3] =	wrdreg s24  }
0xc5: {  	[dreg:$0x4] =	wrdreg $0xA  }
0xc6: {  	_ =	task.clear_ibuf [dreg:s22], $0x5FFFF;
	_ =	strace $0x90000055  }
0xc7: {  	s29 =	simm.s32 $0xA;
	_ =	strace $0x80000057  }
0xc8: {  	_ =	swait.ge [sflag:s29], $0x1  }
0xc9: {  	[sflag:s29] =	ssyncadd.s32 $0xFFFFFFFF  }
0xca: {  	_ =	strace $0x90000057  }
0xcb: {  	_ =	sfence  }
0xcc: {  	s30 =	sld [smem:$0x0];
	_ =	sdelay $0x2  }
0xcd: {  	s31 =	sshll.u32 s1, $0xD;
	s1 =	sshrl.u32 s1, $0x2  }
0xce: {  	s4 =	sand.u32 $0x4000, s31;
	s1 =	sadd.s32 s1, s30  }
0xcf: {  	s0 =	sor.u32 s4, s0;
	s1 =	sshll.u32 s1, $0x11  }
0xd0: {  	s0 =	sor.u32 s1, s0  }
0xd1: {  	s0 =	sadd.s32 $0x8F2B, s0  }
0xd2: {  	[sflag:s0] =	ssyncadd.remote.s32 $0x1  }
0xd3: {  	_ =	sfence.sel $0xFFFF  }
0xd4: {  	[dreg:$0x0] =	wrdreg $0xFFFFFFFF;
	(pc) =	sbr.abs _section_cstart, $3  }
0xd5: {  	[dreg:$0x1] =	wrdreg $0xFFFFFFFF  }
0xd6: {  	_ =	task.clear_ibuf [dreg:s22], $0x2FFFF;
	_ =	strace $0x9FFFFFFF  }
0xd7: {  	(tm) =	ssettm $0x7FFFFFFF  }
tec
execute0_lowered:
.L_overlay_start_1:
0x0: {  	(tag) =	ssettag $0x1  }
0x1: {  	s2 =	rddreg [dreg:$0x0];
	s0 =	stileid.u32  }
0x2: {  	s1 =	srdreg.scid;
	s8 =	rddreg [dreg:$0x1]  }
0x3: {  	s5 =	simm.s32 $0x1;
	s9 =	simm.s32 $0x1;
	s10 =	simm.s32 $0x3  }
0x4: {  	s13 =	simm.s32 $0x0;
	s3 =	sand.u32 $0x1, s1;
	s4 =	sshll.u32 s0, $0x1  }
0x5: {  	s12 =	simm.s32 $0x0;
	s1 =	rddreg [dreg:$0x2];
	s6 =	sor.u32 s4, s3  }
0x6: {  	_ =	strace $0x80000056;
	s3 =	sadd.s32 $0xFC00, s8;
	s4 =	smul.u32 $0x50, s6  }
0x7: {  	[sflag:s5] =	ssyncpa.u1 $0x0;
	p0 =	slt.u32 s6, $0x13;
	s6 =	simm.s32 $0xA00  }
.Ltmp0:
0x8: {  	s6 =	simm.s32 @!p0 $0x0;
	s7 =	ssub.s32 $0xFA0, s4;
	(pc) =	sbr.rel .LBB2_1-.Ltmp0, $4  }
0x9: {  	s9 =	simm.s32 @!p0 $0x0;
	p0 =	sne.s32 s7, s6;
	s7 =	simm.s32 $0x1  }
0xa: {  	s8 =	sadd.s32 $0x10000, s8;
	s6 =	simm.s32 $0x2;
	s7 =	simm.s32 @!p0 $0x0  }
0xb: {  	s11 =	smov.u32 s4;
	[sflag:s6] =	ssyncpa.u1 $0x0;
	s7 =	sadd.s32 s9, s7  }
0xc: {  	vm0 =	vmmov $0xffff;
	[sflag:s10] =	ssyncpa.u1 $0x0;
	s10 =	simm.s32 $0x0;
	s9 =	sadd.s32 $0x1, s7  }
.LBB2_4:
0xd: {  	v5 =	vld.msk [tilespmem:s18+$0x0 ss:$0x1], $0xffff  }
0xe: {  	v6 =	vand.u32 $0x3, v1;
	v7 =	vshrl.u32 v1, $0x2  }
0xf: {  	v3 =	vor.u32 v4, v3;
	vm1 =	veq.s32 v1, $0x80000000;
	v53 =	vand.u32 $0x3FF, v7  }
0x10: {  	v2 =	vor.u32 v2, v3;
	v54 =	vsel vm1, $0xFFFFFFFF, v6;
	v1 =	vsel vm1, $0xFFFFFFFF, v53  }
0x11: {  	v6 =	vshll.u32 v54, $0x7;
	v3 =	vand.u32 $0xFFFFF000, v54;
	v55 =	vand.u32 $0x7F, v1  }
0x12: {  	v1 =	vshll.u32 v1, $0x2;
	v6 =	vand.u32 $0x180, v6;
	v56 =	vshrl.u32 v5, $0x2  }
0x13: {  	v1 =	vand.u32 $0xFFFFFE00, v1;
	vm1 =	veq.s32 v5, $0x80000000;
	v57 =	vand.u32 $0x3FF, v56  }
0x14: {  	v1 =	vadd.s32 v3, v1;
	v5 =	vand.u32 $0x3, v5;
	v3 =	vsel vm1, $0xFFFFFFFF, v57  }
0x15: {  	v1 =	vor.u32 v6, v1;
	v5 =	vsel vm1, $0xFFFFFFFF, v5;
	v58 =	vshll.u32 v3, $0x2  }
0x16: {  	v59 =	vshll.u32 v5, $0x7;
	v5 =	vand.u32 $0xFFFFF000, v5;
	v6 =	vand.u32 $0xFFFFFE00, v58  }
0x17: {  	v1 =	vor.u32 v55, v1;
	v61 =	vand.u32 $0x180, v59;
	v60 =	vadd.s32 v5, v6  }
0x18: {  	[tilespmem:s16], [sflag:$0x1] =	stream.indirect_vreg.gather [hbm4b:s2+s10], $0x1, v0, vm0, $0x4038;
	v62 =	vand.u32 $0x7F, v3;
	v63 =	vor.u32 v61, v60;
	[tilespmem:$0x140] =	vst v63  }
0x19: {  	(ifvalue) =	ssetifvalue $0x7FFFFFFF;
	v0 =	vor.u32 v62, v63  }
0x1a: {  	[tilespmem:s15], [sflag:$0x1] =	stream.indirect_vreg.gather [hbm4b:s2+s10], $0x1, v2, vm0, $0x4038;
	[tilespmem:$0x140] =	vst v63  }
0x1b: {  	s29 =	sadd.s32 $0x10, s15;
	(ifvalue) =	ssetifvalue $0x7FFFFFFF  }
0x1c: {  	[tilespmem:s29], [sflag:$0x1] =	stream.indirect_vreg.gather [hbm4b:s2+s10], $0x1, v1, vm0, $0x4038;
	[tilespmem:$0x140] =	vst v63  }
0x1d: {  	s15 =	sadd.s32 $0x10, s29;
	(ifvalue) =	ssetifvalue $0x7FFFFFFF  }
0x1e: {  	[tilespmem:s15], [sflag:$0x1] =	stream.indirect_vreg.gather [hbm4b:s2+s10], $0x1, v0, vm0, $0x4038;
	[tilespmem:$0x140] =	vst v63  }
0x1f: {  	_ =	swait.ge [sflag:s5], $0x50  }
0x20: {  	s30 =	sshrl.u32 s13, $0x3;
	[sflag:s5] =	ssyncset.done $0x0  }
0x21: {  	s31 =	sand.u32 $0x7, s13;
	s15 =	sadd.s32 s8, s30;
	[sflag:s5] =	ssyncadd.s32 $0xFFFFFFB0  }
0x22: {  	[hbm4b:s15+s31] =	stream.linear.scatter [tilespmem:s14], [sflag:$0x3], $0x50, $0x38;
	[tilespmem:$0x140] =	vst v63  }
.LBB2_5:
0x23: {  	s15 =	sadd.s32 $0xA00, s11  }
0x24: {  	p1 =	sgt.s32 s15, $0xF9F  }
0x25: {  	s15 =	smov.u32 @p1 s4;
	p1 =	sne.s32 s12, s9  }
.Ltmp1:
0x26: {  	p0 =	slt.u32 s12, $0x2;
	(pc) =	sbr.rel @!p1 .LBB2_6-.Ltmp1, $4  }
0x27: {  	s14 =	simm.s32 @!p0 $0x3  }
0x28: {  	_ =	swait.ge @!p0 [sflag:s14], $0x50  }
0x29: {  	s16 =	sadd.s32 $0x1, s12;
	s13 =	smov.u32 s11;
	[sflag:s14] =	ssyncset.done @!p0 $0x0  }
0x2a: {  	s12 =	smov.u32 s16;
	s11 =	smov.u32 s15;
	[sflag:s14] =	ssyncadd.s32 @!p0 $0xFFFFFFB0  }
.LBB2_1:
0x2b: {  	p0 =	sge.u32 s12, s7  }
0x2c: {  	s14 =	sxor.u32 @!p0 $0x1, s12  }
0x2d: {  	s14 =	smul.u32 @!p0 $0x140, s14  }
0x2e: {  	s31 =	sadd.s32 $0xFFFFFFFF, s12;
	s15 =	sshrl.u32 @!p0 s11, $0x3  }
0x2f: {  	s16 =	sand.u32 @!p0 $0x7, s11;
	s15 =	sadd.s32 @!p0 s3, s15;
	s14 =	sshra.s32 @!p0 s14, $0x2  }
0x30: {  	[tilespmem:s14], [sflag:$0x2] =	stream.linear.gather @!p0 [hbm4b:s15+s16], $0x50, $0x38;
	[tilespmem:$0x140] =	vst v63  }
0x31: {  	p0 =	sge.u32 s31, s7  }
.Ltmp2:
0x32: {  	_ = 	snop;
	(pc) =	sbr.rel @p0 .LBB2_5-.Ltmp2, $1  }
0x33: {  	_ =	sdelay $0x3  }
0x34: {  	s14 =	sand.u32 $0x1, s12  }
0x35: {  	_ =	swait.ge [sflag:s6], $0x50;
	p0 =	seq.s32 s14, $0x1;
	s14 =	simm.s32 $0x50  }
0x36: {  	[sflag:s6] =	ssyncset.done $0x0;
	s14 =	simm.s32 @!p0 $0x0  }
0x37: {  	[sflag:s6] =	ssyncadd.s32 $0xFFFFFFB0;
	(ifvalue) =	ssetifvalue $0x7FFFFFFF;
	v0 =	vld.msk [tilespmem:s14+$0x0 ss:$0x1], $0xffff;
	_ =	sdelay $0x4  }
0x38: {  	s15 =	sadd.s32 $0x10, s14;
	v2 =	vshrl.u32 v0, $0x2  }
0x39: {  	v1 =	vld.msk [tilespmem:s15+$0x0 ss:$0x1], $0xffff;
	vm1 =	veq.s32 v0, $0x80000000;
	v2 =	vand.u32 $0x3FF, v2  }
0x3a: {  	v0 =	vand.u32 $0x3, v0;
	v2 =	vsel vm1, $0xFFFFFFFF, v2  }
0x3b: {  	v0 =	vsel vm1, $0xFFFFFFFF, v0;
	v3 =	vshll.u32 v2, $0x2  }
0x3c: {  	v4 =	vand.u32 $0xFFFFF000, v0;
	v0 =	vshll.u32 v0, $0x7;
	v3 =	vand.u32 $0xFFFFFE00, v3  }
0x3d: {  	v0 =	vand.u32 $0x180, v0;
	v3 =	vadd.s32 v4, v3  }
0x3e: {  	v2 =	vand.u32 $0x7F, v2;
	v4 =	vshrl.u32 v1, $0x2;
	v0 =	vor.u32 v0, v3  }
0x3f: {  	vm1 =	veq.s32 v1, $0x80000000;
	v4 =	vand.u32 $0x3FF, v4;
	v0 =	vor.u32 v2, v0  }
0x40: {  	s15 =	sadd.s32 $0x10, s15;
	v1 =	vand.u32 $0x3, v1;
	v3 =	vsel vm1, $0xFFFFFFFF, v4  }
0x41: {  	s14 =	sor.u32 $0xA0, s14;
	v2 =	vsel vm1, $0xFFFFFFFF, v1;
	v1 =	vld.msk [tilespmem:s15+$0x0 ss:$0x1], $0xffff;
	v4 =	vshll.u32 v3, $0x2  }
0x42: {  	s17 =	simm.s32 $0x30;
	s16 =	smov.u32 s14;
	v5 =	vshll.u32 v2, $0x7;
	v6 =	vand.u32 $0xFFFFF000, v2;
	v4 =	vand.u32 $0xFFFFFE00, v4  }
0x43: {  	s18 =	sadd.s32 $0x10, s15;
	(ifvalue) =	ssetifvalue $0x7FFFFFFF;
	s15 =	sadd.s32 $0x10, s14;
	v2 =	vand.u32 $0x7F, v3;
	v3 =	vadd.s32 v6, v4;
	v4 =	vand.u32 $0x180, v5  }
.LBB2_3:
0x44: {  	[tilespmem:s16], [sflag:$0x1] =	stream.indirect_vreg.gather [hbm4b:s2+s10], $0x1, v0, vm0, $0x4038;
	[tilespmem:$0x140] =	vst v63  }
0x45: {  	s17 =	sadd.s32 $0x10, s17  }
0x46: {  	v5 =	vand.u32 $0x3, v1;
	v6 =	vshrl.u32 v1, $0x2;
	v3 =	vor.u32 v4, v3;
	v0 =	vmovc v1;
	v1 =	vld.msk [tilespmem:s18+$0x0 ss:$0x1], $0xffff;
	p0 =	slt.u32 s17, $0x40  }
.Ltmp3:
0x47: {  	s16 =	smov.u32 s15;
	vm1 =	veq.s32 v0, $0x80000000;
	v4 =	vand.u32 $0x3FF, v6;
	v0 =	vor.u32 v2, v3;
	(pc) =	sbr.rel @p0 .LBB2_3-.Ltmp3, $4  }
0x48: {  	v3 =	vsel vm1, $0xFFFFFFFF, v5;
	v4 =	vsel vm1, $0xFFFFFFFF, v4  }
0x49: {  	v2 =	vand.u32 $0x7F, v4;
	v4 =	vshll.u32 v4, $0x2;
	v5 =	vshll.u32 v3, $0x7  }
0x4a: {  	v3 =	vand.u32 $0xFFFFF000, v3;
	v4 =	vand.u32 $0xFFFFFE00, v4  }
0x4b: {  	s18 =	sadd.s32 $0x10, s18;
	s15 =	sadd.s32 $0x10, s15;
	v3 =	vadd.s32 v3, v4;
	v4 =	vand.u32 $0x180, v5;
	(ifvalue) =	ssetifvalue $0x7FFFFFFF  }
.Ltmp4:
0x4c: {  	_ = 	snop;
	(pc) =	sbr.rel .LBB2_4-.Ltmp4, $1  }
0x4d: {  	_ =	sdelay $0x3  }
.LBB2_6:
0x4e: {  	_ =	sfence.sel $0x180000  }
0x4f: {  	s2 =	simm.s32 $0x2;
	[bflag:$0x0] =	sbarrier.arrive $0xFFFF  }
0x50: {  	s30 =	simm.s32 $0x3;
	[sflag:s2] =	ssyncpa.u1 $0x1  }
0x51: {  	s31 =	simm.s32 $0x1;
	[sflag:s30] =	ssyncpa.u1 $0x1  }
0x52: {  	[sflag:s31] =	ssyncpa.u1 $0x1  }
0x53: {  	p0 =	sne.s32 s0, $0x0;
	_ =	strace $0x90000056  }
0x54: {  	s0 =	sadd.s32 @!p0 $0x100000, s1;
	[bflag:$0x2] =	sbarrier.arrive $0xFFFF  }
0x55: {  	[sflag:s0] =	ssyncadd.tile.s32 @!p0 $0x1;
	_ =	shalt  }
.Lfunc_end2:
_tile_overlayer_lowered:
.L_overlay_start_2:
0x56: {  	(tag) =	ssettag $0x2  }
0x57: {  	s0 =	rddreg [dreg:$0x0];
	s2 =	stileid.u32  }
0x58: {  	s1 =	rddreg [dreg:$0x1];
	p0 =	sne.s32 s2, $0x0  }
0x59: {  	s3 =	rddreg [dreg:$0x2];
	[bflag:$0x3] =	sbarrier.arrive $0xFFFF;
	s2 =	simm.s32 @!p0 $0x1C01  }
0x5a: {  	[timem:s3], [sflag:s2] =	dma.local @!p0 [hbm:s0], s1  }
0x5b: {  	s0 =	simm.s32 @!p0 $0x1  }
0x5c: {  	_ =	swait.ge @!p0 [sflag:s0], s1  }
0x5d: {  	s1 =	ssub.s32 @!p0 $0x0, s1;
	[sflag:s0] =	ssyncset.done @!p0 $0x0  }
0x5e: {  	[sflag:s0] =	ssyncadd.s32 @!p0 s1  }
0x5f: {  	[bflag:$0x3] =	sbarrier.arrive $0xFFFF  }
0x60: {  	_ =	shalt  }

// kernel: gather_offload_async_start
scs
__scs_entry_jumppad:
0x0: {  	(pc) =	sbr.rel $0x88, $3  }
0x1: {  	(tag) =	ssettag $0x0;
	lr =	simm.s32 $0x1  }
0x2: {  	[smem:$0x3F9F] =	sst lr;
	_ =	strace $0xD0000000  }
0x3: {  	_ = 	snop  }
0x4: {  	_ = 	snop  }
0x5: {  	_ = 	snop  }
0x6: {  	_ = 	snop  }
0x7: {  	_ = 	snop  }
__scs_overlays_trampoline_lowered:
0x8: {  	[smem:$0x3FAE] =	sst s0  }
0x9: {  	[smem:$0x3FAF] =	sst s1  }
0xa: {  	[smem:$0x3FB0] =	sst s2  }
0xb: {  	[smem:$0x3FB1] =	sst s3  }
0xc: {  	[smem:$0x3FB2] =	sst s4  }
0xd: {  	[smem:$0x3FB3] =	sst s5  }
0xe: {  	[smem:$0x3FB4] =	sst s6  }
0xf: {  	[smem:$0x3FB5] =	sst s7  }
0x10: {  	[smem:$0x3FB6] =	sst s8  }
0x11: {  	[smem:$0x3FB7] =	sst s9;
	s0 =	simm.s32 @!p0 $0x0  }
0x12: {  	s1 =	sld [smem:$0x3F9D];
	s0 =	simm.s32 @p0 $0x1  }
0x13: {  	[smem:$0x3FB8] =	sst s0;
	s0 =	simm.s32 @!p1 $0x0  }
0x14: {  	s2 =	sld [smem:$0x3F9C];
	s0 =	simm.s32 @p1 $0x1  }
0x15: {  	[smem:$0x3FB9] =	sst s0;
	s0 =	simm.s32 @!p2 $0x0  }
0x16: {  	s3 =	sld [smem:$0x3FDB];
	s0 =	simm.s32 @p2 $0x1  }
0x17: {  	s4 =	simm.s32 $0x1BF5;
	[smem:$0x3FBB] =	sst s0  }
0x18: {  	s0 =	sld [smem:$0x3F9E];
	_ =	swait.ge [sflag:s4], $0x0  }
0x19: {  	s7 =	sld [smem:$0x3F9F]  }
0x1a: {  	s8 =	sadd.s32 $0xFFFFE003, lr  }
0x1b: {  	s9 =	sadd.s32 $0xFFFFFEF7, lr;
	s5 =	simm.s32 $0xFFFFFFFF;
	p2 =	slt.u32 s8, $0xFFFFF086  }
0x1c: {  	p1 =	slt.u32 s9, $0xF7A;
	s5 =	simm.s32 @!p2 $0x0  }
0x1d: {  	s5 =	simm.s32 @p1 $0x1;
	p0 =	seq.s32 s7, s2  }
0x1e: {  	s7 =	smul.u32 @!p0 $0xF7A, s2;
	p2 =	seq.s32 @!p0 s5, $0x0  }
0x1f: {  	s9 =	smul.u32 $0xF7A, s1;
	s8 =	simm.s32 @!p0 $0x1BF5;
	p2 =	por !p2, p0  }
0x20: {  	[sflag:s8] =	ssyncset.s32 @!p0 $0xFFFFF086;
	s6 =	sadd.s32 @!p0 s3, s7;
	s7 =	simm.s32 @!p0 $0x108  }
0x21: {  	s3 =	sadd.s32 s3, s9;
	s6 =	sadd.s32 @!p0 $0x88, s6;
	s7 =	simm.s32 @p2 $0x1082  }
0x22: {  	[simem:s7], [sflag:s8] =	dma.local @!p0 [hbm:s6], $0xF7A  }
0x23: {  	s9 =	sor.u32 $0xD0000000, s2;
	s6 =	simm.s32 $0x108;
	_ =	swait.ge @!p0 [sflag:s8], $0x0  }
0x24: {  	s3 =	sadd.s32 $0x88, s3;
	s6 =	simm.s32 @!p1 $0x1082;
	[sflag:s4] =	ssyncset.s32 $0xFFFFF086  }
0x25: {  	[simem:s6], [sflag:s4] =	dma.local [hbm:s3], $0xF7A  }
0x26: {  	[smem:$0x3F9F] =	sst s1;
	(tag) =	ssettag s2;
	_ =	strace s9  }
0x27: {  	s1 =	sld [smem:$0x3FAF]  }
0x28: {  	s2 =	sld [smem:$0x3FB0]  }
0x29: {  	s4 =	sld [smem:$0x3FB2]  }
0x2a: {  	p0 =	seq.s32 s5, $0x0;
	s5 =	sld [smem:$0x3FB3]  }
0x2b: {  	s6 =	sld [smem:$0x3FB4]  }
0x2c: {  	s7 =	sld [smem:$0x3FB5]  }
0x2d: {  	s3 =	simm.s32 $0x108;
	s8 =	sld [smem:$0x3FB6]  }
0x2e: {  	s3 =	simm.s32 @!p0 $0x1082;
	s9 =	sld [smem:$0x3FB7]  }
0x2f: {  	lr =	sadd.s32 s0, s3;
	s0 =	sld [smem:$0x3FAE]  }
0x30: {  	s3 =	sld [smem:$0x3FB1]  }
0x31: {  	[smem:$0x3FBA] =	sst s10  }
0x32: {  	s10 =	sld [smem:$0x3FB8];
	_ =	sdelay $0x3  }
0x33: {  	p0 =	seq.s32 s10, $0x1;
	s10 =	sld [smem:$0x3FBA];
	_ =	sdelay $0x3  }
0x34: {  	[smem:$0x3FBA] =	sst s10  }
0x35: {  	s10 =	sld [smem:$0x3FB9];
	_ =	sdelay $0x3  }
0x36: {  	p1 =	seq.s32 s10, $0x1;
	s10 =	sld [smem:$0x3FBA];
	_ =	sdelay $0x3  }
0x37: {  	[smem:$0x3FBA] =	sst s10  }
0x38: {  	s10 =	sld [smem:$0x3FBB]  }
0x39: {  	_ = 	snop;
	(pc) =	sbr.ind lr, $3  }
0x3a: {  	_ = 	snop  }
0x3b: {  	_ = 	snop  }
0x3c: {  	p2 =	seq.s32 s10, $0x1;
	s10 =	sld [smem:$0x3FBA]  }
0x3d: {  	_ =	shalt  }
0x3e: {  	_ =	shalt  }
0x3f: {  	_ =	shalt  }
0x40: {  	_ =	shalt  }
0x41: {  	_ =	shalt  }
0x42: {  	_ =	shalt  }
0x43: {  	_ =	shalt  }
0x44: {  	_ =	shalt  }
0x45: {  	_ =	shalt  }
0x46: {  	_ =	shalt  }
0x47: {  	_ =	shalt  }
0x48: {  	_ =	shalt  }
0x49: {  	_ =	shalt  }
0x4a: {  	_ =	shalt  }
0x4b: {  	_ =	shalt  }
0x4c: {  	_ =	shalt  }
0x4d: {  	_ =	shalt  }
0x4e: {  	_ =	shalt  }
0x4f: {  	_ =	shalt  }
0x50: {  	_ =	shalt  }
0x51: {  	_ =	shalt  }
0x52: {  	_ =	shalt  }
0x53: {  	_ =	shalt  }
0x54: {  	_ =	shalt  }
0x55: {  	_ =	shalt  }
0x56: {  	_ =	shalt  }
0x57: {  	_ =	shalt  }
0x58: {  	_ =	shalt  }
0x59: {  	_ =	shalt  }
0x5a: {  	_ =	shalt  }
0x5b: {  	_ =	shalt  }
0x5c: {  	_ =	shalt  }
0x5d: {  	_ =	shalt  }
0x5e: {  	_ =	shalt  }
0x5f: {  	_ =	shalt  }
0x60: {  	_ =	shalt  }
0x61: {  	_ =	shalt  }
0x62: {  	_ =	shalt  }
0x63: {  	_ =	shalt  }
0x64: {  	_ =	shalt  }
0x65: {  	_ =	shalt  }
0x66: {  	_ =	shalt  }
0x67: {  	_ =	shalt  }
0x68: {  	_ =	shalt  }
0x69: {  	_ =	shalt  }
0x6a: {  	_ =	shalt  }
0x6b: {  	_ =	shalt  }
0x6c: {  	_ =	shalt  }
0x6d: {  	_ =	shalt  }
0x6e: {  	_ =	shalt  }
0x6f: {  	_ =	shalt  }
0x70: {  	_ =	shalt  }
0x71: {  	_ =	shalt  }
0x72: {  	_ =	shalt  }
0x73: {  	_ =	shalt  }
0x74: {  	_ =	shalt  }
0x75: {  	_ =	shalt  }
0x76: {  	_ =	shalt  }
0x77: {  	_ =	shalt  }
0x78: {  	_ =	shalt  }
0x79: {  	_ =	shalt  }
0x7a: {  	_ =	shalt  }
0x7b: {  	_ =	shalt  }
0x7c: {  	_ =	shalt  }
0x7d: {  	_ =	shalt  }
0x7e: {  	_ =	shalt  }
0x7f: {  	_ =	shalt  }
0x80: {  	_ =	shalt  }
0x81: {  	_ =	shalt  }
0x82: {  	_ =	shalt  }
0x83: {  	_ =	shalt  }
0x84: {  	_ =	shalt  }
0x85: {  	_ =	shalt  }
0x86: {  	_ =	shalt  }
0x87: {  	_ =	shalt  }
.Lfunc_end0:
.L_simem_size_0:
called_computation_lowered:
.L_overlay_start_0:
0x88: {  	s2 =	sld [smem:$0x3FD9]  }
0x89: {  	s3 =	sld [smem:$0x3FFE];
	_ =	sdelay $0x1  }
0x8a: {  	s1 =	srdreg.scid  }
0x8b: {  	s0 =	sand.u32 $0x1, s1  }
0x8c: {  	s14 =	sshll.u32 s0, $0xA;
	s2 =	sadd.s32 s3, s2  }
0x8d: {  	s2 =	sadd.s32 s2, s14  }
0x8e: {  	[smem:$0x3FC6] =	sst s2  }
0x8f: {  	_ = 	snop  }
0x90: {  	s2 =	sld [smem:$0x3FD0];
	_ =	sdelay $0x2  }
0x91: {  	s15 =	simm.s32 $0xB;
	s4 =	simm.s32 $0x10  }
0x92: {  	[smem:s4], [sflag:s15] =	dma.local [hbm:s2], $0x1  }
0x93: {  	_ =	swait.eq [sflag:s15], $0x1  }
0x94: {  	[sflag:s15] =	ssyncset.done $0x0  }
0x95: {  	[sflag:s15] =	ssyncadd.s32 $0xFFFFFFFF  }
0x96: {  	s16 =	sld [smem:$0x11];
	(tm) =	ssettm $0x1  }
0x97: {  	s17 =	sld [smem:$0x3FFB];
	_ =	sdelay $0x3  }
0x98: {  	_ =	strace s17  }
0x99: {  	s3 =	sld [smem:$0x3FFC];
	_ =	sdelay $0x3  }
0x9a: {  	_ =	strace s3  }
0x9b: {  	s3 =	sld [smem:$0x3FFD];
	_ =	sdelay $0x3  }
0x9c: {  	_ =	strace s3  }
0x9d: {  	_ =	strace $0x8FFFFFFF  }
0x9e: {  	s18 =	sld [smem:$0x3FDB];
	_ =	sdelay $0x1  }
0x9f: {  	s19 =	simm.s32 $_scs_section_size  }
0xa0: {  	s5 =	simm.s32 $_size__tile_overlayer_lowered;
	s6 =	simm.s32 $_tile_overlayer_lowered  }
0xa1: {  	s22 =	simm.s32 $0x1BFF;
	s21 =	sshll.u32 s6, $0x1;
	s3 =	sadd.s32 s19, s18  }
0xa2: {  	s7 =	simm.s32 $0x0;
	s20 =	sshll.u32 s5, $0x1;
	s5 =	sadd.s32 s21, s3  }
0xa3: {  	[timem:s7], [sflag:s22] =	dma.local [hbm:s5], s20  }
0xa4: {  	_ =	swait.ge [sflag:s22], s20  }
0xa5: {  	s4 =	ssub.s32 $0x0, s20;
	[sflag:s22] =	ssyncset.done $0x0  }
0xa6: {  	[sflag:s22] =	ssyncadd.s32 s4;
	_ =	sdelay $0x1  }
0xa7: {  	s23 =	simm.s32 $0x1B8B  }
0xa8: {  	_ =	swait.ge [sflag:s23], $0x1  }
0xa9: {  	[sflag:s23] =	ssyncset.done $0x0  }
0xaa: {  	s25 =	simm.s32 $0x1B8E;
	s24 =	sld [smem:$0x3FFE];
	[sflag:s23] =	ssyncadd.s32 $0xFFFFFFFF  }
0xab: {  	s26 =	simm.s32 $execute0_lowered;
	[smem:$0x3FD2] =	sst s25  }
0xac: {  	s5 =	sshll.u32 s26, $0x1;
	_ =	strace $0x80000046;
	[dreg:$0x1] =	wrdreg $0xFFFFFFFF  }
0xad: {  	s28 =	simm.s32 $_size_execute0_lowered;
	s3 =	sadd.s32 s3, s5;
	[dreg:$0x0] =	wrdreg $0x0  }
0xae: {  	s5 =	sshll.u32 s28, $0x1;
	[dreg:$0x2] =	wrdreg s3  }
0xaf: {  	[dreg:$0x3] =	wrdreg s5  }
0xb0: {  	[dreg:$0x4] =	wrdreg $0xC0  }
0xb1: {  	_ =	task [dreg:s7], $0x5FFFF  }
0xb2: {  	[dreg:$0x1] =	wrdreg $0xFFFFFFFF  }
0xb3: {  	[dreg:$0x0] =	wrdreg $0x60  }
0xb4: {  	[dreg:$0x2] =	wrdreg s24  }
0xb5: {  	[dreg:$0x3] =	wrdreg s16  }
0xb6: {  	[dreg:$0x4] =	wrdreg $0x9  }
0xb7: {  	_ =	task.clear_ibuf [dreg:s7], $0x5FFFF;
	_ =	strace $0x90000046  }
0xb8: {  	s29 =	simm.s32 $0x9;
	_ =	strace $0x80000048  }
0xb9: {  	_ =	swait.ge [sflag:s29], $0x1  }
0xba: {  	[sflag:s29] =	ssyncadd.s32 $0xFFFFFFFF  }
0xbb: {  	_ =	strace $0x90000048  }
0xbc: {  	_ =	sfence  }
0xbd: {  	s30 =	sld [smem:$0x0];
	_ =	sdelay $0x2  }
0xbe: {  	s31 =	sshll.u32 s1, $0xD;
	s1 =	sshrl.u32 s1, $0x2  }
0xbf: {  	s3 =	sand.u32 $0x4000, s31;
	s1 =	sadd.s32 s1, s30  }
0xc0: {  	s0 =	sor.u32 s3, s0;
	s1 =	sshll.u32 s1, $0x11  }
0xc1: {  	s0 =	sor.u32 s1, s0  }
0xc2: {  	s0 =	sadd.s32 $0x8F2B, s0  }
0xc3: {  	[sflag:s0] =	ssyncadd.remote.s32 $0x1  }
0xc4: {  	_ =	sfence.sel $0xFFFF  }
0xc5: {  	[dreg:$0x0] =	wrdreg $0xFFFFFFFF;
	(pc) =	sbr.abs _section_cstart, $3  }
0xc6: {  	[dreg:$0x1] =	wrdreg $0xFFFFFFFF  }
0xc7: {  	_ =	task.clear_ibuf [dreg:s7], $0x2FFFF;
	_ =	strace $0x9FFFFFFF  }
0xc8: {  	(tm) =	ssettm $0x7FFFFFFF  }
0xc9: {  	_ =	shalt  }
tec
execute0_lowered:
.L_overlay_start_1:
0x0: {  	(tag) =	ssettag $0x1  }
0x1: {  	s0 =	srdreg.scid  }
0x2: {  	s1 =	sshll.u32 s0, $0x4  }
0x3: {  	s0 =	stileid.u32;
	s1 =	sand.u32 $0x10, s1  }
0x4: {  	s2 =	sor.u32 s0, s1  }
0x5: {  	s1 =	smin.u32 s2, $0x12  }
0x6: {  	s1 =	sadd.s32 s2, s1  }
0x7: {  	p0 =	slt.u32 s2, $0x12;
	s2 =	simm.s32 $0xA0;
	s1 =	smul.u32 $0x50, s1  }
0x8: {  	s2 =	simm.s32 @!p0 $0x50  }
0x9: {  	s2 =	sadd.s32 s2, s1  }
0xa: {  	s3 =	smin.u32 s2, $0xFA0  }
0xb: {  	s7 =	ssub.s32 s3, s1  }
0xc: {  	p0 =	sgt.s32 s7, $0x0  }
0xd: {  	s7 =	simm.s32 @!p0 $0x0  }
0xe: {  	s4 =	rddreg [dreg:$0x0];
	s31 =	smul.u32 $0xCCCD, s7  }
0xf: {  	s5 =	rddreg [dreg:$0x1]  }
0x10: {  	s6 =	simm.s32 $0x1;
	s10 =	simm.s32 $0x3;
	s8 =	sshrl.u32 s31, $0x16  }
0x11: {  	s13 =	simm.s32 $0x0;
	s12 =	simm.s32 $0x0;
	s9 =	smul.u32 $0x50, s8  }
.Ltmp0:
0x12: {  	s11 =	smov.u32 s1;
	s2 =	rddreg [dreg:$0x2];
	(pc) =	sbr.rel .LBB2_1-.Ltmp0, $4  }
0x13: {  	_ =	strace $0x80000047;
	p0 =	sne.s32 s7, s9;
	s9 =	simm.s32 $0x1  }
0x14: {  	[sflag:s6] =	ssyncpa.u1 $0x0;
	s7 =	simm.s32 $0x2;
	s9 =	simm.s32 @!p0 $0x0  }
0x15: {  	[sflag:s7] =	ssyncpa.u1 $0x0;
	p0 =	por $0x0, $0x0;
	s8 =	sadd.s32 s8, s9  }
0x16: {  	vm0 =	vmmov $0xff;
	vm1 =	vcmask $0x3F20;
	s9 =	sadd.s32 $0x138800, s4;
	[sflag:s10] =	ssyncpa.u1 $0x0;
	s10 =	sadd.s32 $0x1, s8  }
.LBB2_6:
0x17: {  	[hbm:s17] =	stream.linear.scatter [tilespmem:s14], [sflag:$0x3], $0x400, $0x38;
	[tilespmem:$0x50A0] =	vst v63  }
.LBB2_7:
0x18: {  	s13 =	sadd.s32 $0x50, s11  }
0x19: {  	s15 =	smov.u32 s1;
	p2 =	slt.s32 s13, s3  }
0x1a: {  	s15 =	smov.u32 @p2 s13;
	p2 =	sne.s32 s12, s10  }
.Ltmp1:
0x1b: {  	p1 =	slt.u32 s12, $0x2;
	(pc) =	sbr.rel @!p2 .LBB2_8-.Ltmp1, $4  }
0x1c: {  	s14 =	simm.s32 @!p1 $0x3  }
0x1d: {  	s16 =	sadd.s32 $0x1, s12;
	_ =	swait.ge @!p1 [sflag:s14], $0x2800  }
0x1e: {  	p0 =	por !p0, !p0;
	s13 =	smov.u32 s11;
	[sflag:s14] =	ssyncset.done @!p1 $0x0  }
0x1f: {  	s12 =	smov.u32 s16;
	s11 =	smov.u32 s15;
	[sflag:s14] =	ssyncadd.s32 @!p1 $0xFFFFD800  }
.LBB2_1:
0x20: {  	p1 =	sge.u32 s12, s8  }
0x21: {  	s14 =	sxor.u32 @!p1 $0xFFFFFFFF, s12  }
0x22: {  	s14 =	sand.u32 @!p1 $0x1, s14  }
0x23: {  	s14 =	smul.u32 @!p1 $0x140, s14  }
0x24: {  	s31 =	sadd.s32 $0xFFFFFFFF, s12;
	s15 =	sshrl.u32 @!p1 s11, $0x3  }
0x25: {  	s16 =	sand.u32 @!p1 $0x7, s11;
	s15 =	sadd.s32 @!p1 s5, s15;
	s14 =	sshrl.u32 @!p1 s14, $0x2  }
0x26: {  	[tilespmem:s14], [sflag:$0x2] =	stream.linear.gather @!p1 [hbm4b:s15+s16], $0x50, $0x38;
	[tilespmem:$0x50A0] =	vst v63  }
0x27: {  	p1 =	sge.u32 s31, s8  }
.Ltmp2:
0x28: {  	_ = 	snop;
	(pc) =	sbr.rel @p1 .LBB2_7-.Ltmp2, $1  }
0x29: {  	_ =	sdelay $0x3  }
0x2a: {  	s14 =	simm.s32 $0x1  }
0x2b: {  	s14 =	simm.s32 @!p0 $0x0  }
0x2c: {  	s15 =	smul.u32 $0x140, s14  }
0x2d: {  	_ =	swait.ge [sflag:s7], $0x50  }
0x2e: {  	[sflag:s7] =	ssyncset.done $0x0;
	s16 =	sshrl.u32 s15, $0x2  }
0x2f: {  	[sflag:s7] =	ssyncadd.s32 $0xFFFFFFB0;
	s15 =	sadd.s32 $0x0, s16  }
0x30: {  	v0 =	vld.msk [tilespmem:s15+$0x0 ss:$0x1], $0xffff;
	_ =	sdelay $0x4  }
0x31: {  	v1 =	vand.u32 $0x3, v0;
	v2 =	vshll.u32 v0, $0x5  }
0x32: {  	vm2 =	veq.s32 v0, $0x80000000;
	v0 =	vmul.u32 $0x271000, v1;
	v1 =	vand.u32 $0x3FFF80, v2  }
0x33: {  	v1 =	vsel vm2, $0xFFFFFF80, v1  }
0x34: {  	v0 =	vsel vm2, $0xFFD8F000, v0;
	v2 =	vand.u32 $0xFFFFFC00, v1  }
0x35: {  	v1 =	vand.u32 $0x380, v1;
	v0 =	vadd.s32 v0, v2  }
0x36: {  	v0 =	vor.u32 v1, v0  }
0x37: {  	v0 =	vshrl.u32 v0, $0x3  }
0x38: {  	s14 =	smul.u32 $0xA000, s14;
	_ =	sdelay $0x1  }
0x39: {  	s14 =	sshrl.u32 s14, $0x2  }
0x3a: {  	s14 =	sor.u32 $0xA0, s14  }
0x3b: {  	[tilespmem:s14], [sflag:$0x1] =	stream.indirect_vreg.gather [hbm:s4], $0x80, v0, vm0, $0x38;
	[tilespmem:$0x50A0] =	vst v63  }
0x3c: {  	s17 =	sadd.s32 $0x10, s16;
	s15 =	sadd.s32 $0x400, s14  }
0x3d: {  	[tilespmem:s15], [sflag:$0x1] =	stream.indirect_vreg.gather [hbm:s4], $0x80, v0, vm1, $0x38;
	[tilespmem:$0x50A0] =	vst v63  }
0x3e: {  	s18 =	simm.s32 $0x80;
	v0 =	vld.msk [tilespmem:s17+$0x0 ss:$0x1], $0xffff;
	s17 =	smov.u32 s14  }
.LBB2_3:
0x3f: {  	p1 =	sne.s32 s18, $0x100;
	_ =	sdelay $0x4  }
0x40: {  	v1 =	vand.u32 $0x3, v0;
	v2 =	vshll.u32 v0, $0x5  }
0x41: {  	vm2 =	veq.s32 v0, $0x80000000;
	v0 =	vmul.u32 $0x271000, v1;
	v1 =	vand.u32 $0x3FFF80, v2  }
0x42: {  	v1 =	vsel vm2, $0xFFFFFF80, v1  }
0x43: {  	v0 =	vsel vm2, $0xFFD8F000, v0;
	v2 =	vand.u32 $0xFFFFFC00, v1  }
0x44: {  	v1 =	vand.u32 $0x380, v1;
	v0 =	vadd.s32 v0, v2  }
0x45: {  	v0 =	vor.u32 v1, v0  }
0x46: {  	v0 =	vshrl.u32 v0, $0x3;
	_ =	sdelay $0x3  }
.Ltmp3:
0x47: {  	s19 =	sshra.s32 s18, $0x2;
	s17 =	sadd.s32 $0x800, s17;
	(pc) =	sbr.rel @p1 .LBB2_3-.Ltmp3, $4  }
0x48: {  	[tilespmem:s17], [sflag:$0x1] =	stream.indirect_vreg.gather [hbm:s4], $0x80, v0, vm0, $0x38;
	[tilespmem:$0x50A0] =	vst v63  }
0x49: {  	s19 =	sadd.s32 s19, s16;
	s20 =	sadd.s32 $0x400, s17  }
0x4a: {  	[tilespmem:s20], [sflag:$0x1] =	stream.indirect_vreg.gather [hbm:s4], $0x80, v0, vm1, $0x38;
	[tilespmem:$0x50A0] =	vst v63  }
0x4b: {  	s18 =	sadd.s32 $0x40, s18;
	v0 =	vld.msk [tilespmem:s19+$0x0 ss:$0x1], $0xffff  }
0x4c: {  	_ =	sdelay $0x3  }
0x4d: {  	v1 =	vand.u32 $0x3, v0;
	v2 =	vshll.u32 v0, $0x5  }
0x4e: {  	vm2 =	veq.s32 v0, $0x80000000;
	v61 =	vmul.u32 $0x271000, v1;
	v62 =	vand.u32 $0x3FFF80, v2  }
0x4f: {  	v1 =	vsel vm2, $0xFFFFFF80, v62  }
0x50: {  	v0 =	vsel vm2, $0xFFD8F000, v61;
	v63 =	vand.u32 $0xFFFFFC00, v1  }
0x51: {  	v1 =	vand.u32 $0x380, v1;
	v0 =	vadd.s32 v0, v63  }
0x52: {  	v0 =	vor.u32 v1, v0  }
0x53: {  	v0 =	vshrl.u32 v0, $0x3;
	_ =	sdelay $0x3  }
0x54: {  	s16 =	sadd.s32 $0x800, s17  }
0x55: {  	[tilespmem:s16], [sflag:$0x1] =	stream.indirect_vreg.gather [hbm:s4], $0x80, v0, vm0, $0x38;
	[tilespmem:$0x50A0] =	vst v63  }
0x56: {  	s16 =	sadd.s32 $0x400, s16  }
0x57: {  	[tilespmem:s16], [sflag:$0x1] =	stream.indirect_vreg.gather [hbm:s4], $0x80, v0, vm1, $0x38;
	[tilespmem:$0x50A0] =	vst v63  }
0x58: {  	s13 =	sshll.u32 s13, $0x4;
	_ =	swait.ge [sflag:s6], $0x2800  }
0x59: {  	s13 =	sadd.s32 s13, s9;
	[sflag:s6] =	ssyncset.done $0x0  }
0x5a: {  	s17 =	sadd.s32 $0x0, s13;
	s16 =	simm.s32 $0x80;
	[sflag:s6] =	ssyncadd.s32 $0xFFFFD800  }
.LBB2_5:
0x5b: {  	[hbm:s17] =	stream.linear.scatter [tilespmem:s14], [sflag:$0x3], $0x400, $0x38;
	[tilespmem:$0x50A0] =	vst v63  }
0x5c: {  	s17 =	smov.u32 s16;
	s14 =	smov.u32 s15;
	p1 =	sne.s32 s16, $0x480  }
.Ltmp4:
0x5d: {  	s16 =	sadd.s32 $0x80, s16;
	(pc) =	sbr.rel @p1 .LBB2_5-.Ltmp4, $2  }
0x5e: {  	_ =	sdelay $0x2  }
0x5f: {  	s15 =	sadd.s32 $0x400, s15;
	s17 =	sadd.s32 s17, s13  }
.Ltmp5:
0x60: {  	_ = 	snop;
	(pc) =	sbr.rel .LBB2_6-.Ltmp5, $1  }
0x61: {  	_ =	sdelay $0x3  }
.LBB2_8:
0x62: {  	_ =	sfence.sel $0x180000  }
0x63: {  	s1 =	simm.s32 $0x2;
	[bflag:$0x0] =	sbarrier.arrive $0xFFFF  }
0x64: {  	s30 =	simm.s32 $0x3;
	[sflag:s1] =	ssyncpa.u1 $0x1  }
0x65: {  	s31 =	simm.s32 $0x1;
	[sflag:s30] =	ssyncpa.u1 $0x1  }
0x66: {  	[sflag:s31] =	ssyncpa.u1 $0x1  }
0x67: {  	p0 =	sne.s32 s0, $0x0;
	_ =	strace $0x90000047  }
0x68: {  	s0 =	sadd.s32 @!p0 $0x100000, s2;
	[bflag:$0x2] =	sbarrier.arrive $0xFFFF  }
0x69: {  	[sflag:s0] =	ssyncadd.tile.s32 @!p0 $0x1;
	_ =	shalt  }
.Lfunc_end2:
_tile_overlayer_lowered:
.L_overlay_start_2:
0x6a: {  	(tag) =	ssettag $0x2  }
0x6b: {  	s0 =	rddreg [dreg:$0x0];
	s2 =	stileid.u32  }
0x6c: {  	s1 =	rddreg [dreg:$0x1];
	p0 =	sne.s32 s2, $0x0  }
0x6d: {  	s3 =	rddreg [dreg:$0x2];
	[bflag:$0x3] =	sbarrier.arrive $0xFFFF;
	s2 =	simm.s32 @!p0 $0x1C01  }
0x6e: {  	[timem:s3], [sflag:s2] =	dma.local @!p0 [hbm:s0], s1  }
0x6f: {  	s0 =	simm.s32 @!p0 $0x1  }
0x70: {  	_ =	swait.ge @!p0 [sflag:s0], s1  }
0x71: {  	s1 =	ssub.s32 @!p0 $0x0, s1;
	[sflag:s0] =	ssyncset.done @!p0 $0x0  }
0x72: {  	[sflag:s0] =	ssyncadd.s32 @!p0 s1  }
0x73: {  	[bflag:$0x3] =	sbarrier.arrive $0xFFFF  }
0x74: {  	_ =	shalt  }

</sc_bundles>
